<compile_context>
chip_gen: v7x
topology: tpu7x:2x2x1
jax: 0.10.2.dev20260603
libtpu: 0.0.44.dev20260713+nightly
codegen_flags: <defaults>
</compile_context>

<pallas_src>
import functools

import jax
import jax.numpy as jnp
from jax import lax
from jax.experimental import pallas as pl
from jax.experimental.pallas import tpu as pltpu
from jax.experimental.pallas import tpu_sc as plsc

H = 16
TP = 8
EMB_SIZE = 100000
N_TRAIN = 16384
N_VALID = 4096
D = 128
S = 512

NC = 2
NS = 16
NW = NC * NS
QPW = N_VALID // NW
SPW = S // NW

BQ = 512
GRID = N_VALID // BQ


@functools.lru_cache(maxsize=1)
def _sc_gather_kernel():
  mesh = plsc.VectorSubcoreMesh(core_axis_name="c", subcore_axis_name="s")

  @functools.partial(
      pl.kernel,
      out_type=(
          jax.ShapeDtypeStruct((TP, N_VALID), jnp.int32),
          jax.ShapeDtypeStruct((TP, S), jnp.int32),
          jax.ShapeDtypeStruct((S, D), jnp.float32),
          jax.ShapeDtypeStruct((S,), jnp.float32),
      ),
      mesh=mesh,
      compiler_params=pltpu.CompilerParams(use_tc_tiling_on_sc=False),
      scratch_types=[
          pltpu.VMEM((QPW,), jnp.int32),
          pltpu.VMEM((TP, QPW), jnp.int32),
          pltpu.VMEM((SPW,), jnp.int32),
          pltpu.VMEM((SPW,), jnp.int32),
          pltpu.VMEM((TP, SPW), jnp.int32),
          pltpu.VMEM((SPW, D), jnp.float32),
          pltpu.VMEM((SPW,), jnp.float32),
          pltpu.SemaphoreType.DMA,
          pltpu.SemaphoreType.DMA,
          pltpu.SemaphoreType.DMA,
          pltpu.SemaphoreType.DMA,
      ],
  )
  def sc_gather(locT_hbm, vidx_hbm, tidx_hbm, scols_hbm, temb_hbm,
                ttar_hbm, loc_qT_out, loc_cT_out, et_out, tt_out,
                qidx_v, qT_v, scols_v, cidx_v, cT_v, erows_v,
                ttv_v, qsem, csem, esem, tsem):
    wid = lax.axis_index("s") * NC + lax.axis_index("c")
    qbase = wid * QPW
    sbase = wid * SPW

    pltpu.sync_copy(vidx_hbm.at[pl.ds(qbase, QPW)], qidx_v)
    pltpu.sync_copy(scols_hbm.at[pl.ds(sbase, SPW)], scols_v)

    qcps = [
        pltpu.async_copy(locT_hbm.at[tp].at[qidx_v], qT_v.at[tp], qsem)
        for tp in range(TP)
    ]

    pltpu.async_copy(tidx_hbm.at[scols_v], cidx_v, csem).wait()
    ccps = [
        pltpu.async_copy(locT_hbm.at[tp].at[cidx_v], cT_v.at[tp], csem)
        for tp in range(TP)
    ]

    ecp = pltpu.async_copy(temb_hbm.at[scols_v], erows_v, esem)
    tcp = pltpu.async_copy(ttar_hbm.at[scols_v], ttv_v, tsem)

    for cp in qcps:
      cp.wait()
    pltpu.sync_copy(qT_v, loc_qT_out.at[:, pl.ds(qbase, QPW)])
    for cp in ccps:
      cp.wait()
    pltpu.sync_copy(cT_v, loc_cT_out.at[:, pl.ds(sbase, SPW)])
    ecp.wait()
    pltpu.sync_copy(erows_v, et_out.at[pl.ds(sbase, SPW)])
    tcp.wait()
    pltpu.sync_copy(ttv_v, tt_out.at[pl.ds(sbase, SPW)])

  return sc_gather


def _tc_body(ev_ref, et_ref, locqT_ref, locc_ref, tt_ref, vt_ref, out_ref):
  ev = ev_ref[...]
  evn = ev * lax.rsqrt((ev * ev).sum(axis=1, keepdims=True))
  et = et_ref[...]
  etn = et * lax.rsqrt((et * et).sum(axis=1, keepdims=True))
  euT = lax.dot_general(etn, evn, (((1,), (1,)), ((), ())),
                        preferred_element_type=jnp.float32)

  locqT = locqT_ref[...]
  locc = locc_ref[...]
  sgq = lax.shift_right_arithmetic(locqT, 31)
  sgc = lax.shift_right_arithmetic(locc, 31)
  aq = jnp.abs(locqT)
  ac = jnp.abs(locc)
  accm = jnp.zeros((S, BQ), jnp.int32)
  accb = jnp.zeros((S, BQ), jnp.int32)
  for tp in range(TP):
    m = jnp.bitwise_xor(sgq[tp:tp + 1, :], sgc[:, tp:tp + 1])
    xr = jnp.bitwise_xor(aq[tp:tp + 1, :], ac[:, tp:tp + 1])
    f = (xr + 1).astype(jnp.float32)
    bits = lax.shift_right_logical(lax.bitcast_convert_type(f, jnp.int32), 23)
    accm = accm + m
    accb = accb + jnp.bitwise_xor(bits, m)
  acc = (1136 + 285 * accm) - accb
  ct = acc.astype(jnp.float32) * (1.0 / 128.0)

  diff = ct - euT
  softplus = jnp.log(1.0 + jnp.exp(ct))
  tt = tt_ref[...]
  a = (diff * diff + softplus).sum(axis=0, keepdims=True)
  cdot = lax.dot_general(tt, ct, (((1,), (0,)), ((), ())),
                         preferred_element_type=jnp.float32)
  vt = vt_ref[0]
  out_ref[0] = (a - vt * cdot) * (1.0 / jnp.float32(S))


def kernel(train_emb, valid_emb, train_idx, valid_idx, train_tar, valid_tar,
           locations, sample_cols):
  locT = locations.T
  loc_qT, loc_cT, et, tt = _sc_gather_kernel()(
      locT, valid_idx, train_idx, sample_cols, train_emb, train_tar)

  locc = loc_cT.T
  tt2 = tt.reshape(1, S)
  vt3 = valid_tar.reshape(GRID, 1, BQ)

  out = pl.pallas_call(
      _tc_body,
      grid=(GRID,),
      in_specs=[
          pl.BlockSpec((BQ, D), lambda i: (i, 0)),
          pl.BlockSpec((S, D), lambda i: (0, 0)),
          pl.BlockSpec((TP, BQ), lambda i: (0, i)),
          pl.BlockSpec((S, TP), lambda i: (0, 0)),
          pl.BlockSpec((1, S), lambda i: (0, 0)),
          pl.BlockSpec((1, 1, BQ), lambda i: (i, 0, 0)),
      ],
      out_specs=pl.BlockSpec((1, 1, BQ), lambda i: (i, 0, 0)),
      out_shape=jax.ShapeDtypeStruct((GRID, 1, BQ), jnp.float32),
  )(valid_emb, et, loc_qT, locc, tt2, vt3)
  return out.reshape(N_VALID)

# --- scband reference (transcript-rebuilt; emitter-appended) ---
"""Pipeline reference for scband-criti-graph-38680475468248 (READ-ONLY COPY).

The authoritative reference and input builder live on the scoring server;
editing this copy changes nothing except your own understanding.
"""

import jax, jax.numpy as jnp
import numpy as np

H = 16
TP = 8
N = 2 ** H
EMB_SIZE = 100000
N_TRAIN = 16384
N_VALID = 4096
D = 128
S = 512
RATIO_COS = 1.0
RATIO_CRO = 1.0


def setup_inputs(seed: int = 0) -> dict:
    key = jax.random.key(seed)
    ks = jax.random.split(key, 8)
    train_emb = jax.random.normal(ks[0], (N_TRAIN, D), dtype=jnp.float32)
    valid_emb = jax.random.normal(ks[1], (N_VALID, D), dtype=jnp.float32)
    train_idx = jax.random.randint(ks[2], (N_TRAIN,), 0, EMB_SIZE, dtype=jnp.int32)
    valid_idx = jax.random.randint(ks[3], (N_VALID,), 0, EMB_SIZE, dtype=jnp.int32)
    train_tar = jax.random.uniform(ks[4], (N_TRAIN,), dtype=jnp.float32)
    valid_tar = jax.random.uniform(ks[5], (N_VALID,), dtype=jnp.float32)
    # learned/int state: integer hypercube locations, values in [1-n, n)
    locations = jax.random.randint(ks[6], (EMB_SIZE, TP), 1 - N, N, dtype=jnp.int32)
    # sampled candidate columns (Expander_Sample surrogate)
    sample_cols = jax.random.randint(ks[7], (S,), 0, N_TRAIN, dtype=jnp.int32)
    return {
        'train_emb': train_emb, 'valid_emb': valid_emb,
        'train_idx': train_idx, 'valid_idx': valid_idx,
        'train_tar': train_tar, 'valid_tar': valid_tar,
        'locations': locations, 'sample_cols': sample_cols,
    }


def _distance(c1, c2):
    # faithful port of CritiGraph.distance (norm=1):
    # sg = sign(c1)*sign(c2); s = frexp_exponent(|c1|^|c2| + 1)/h; d = sg*(1-s)
    sg = jnp.where(c1 >= 0, 1.0, -1.0) * jnp.where(c2 >= 0, 1.0, -1.0)
    xr = jnp.bitwise_xor(jnp.abs(c1), jnp.abs(c2))
    _, e = jnp.frexp((xr + 1).astype(jnp.float32))
    s = e.astype(jnp.float32) / H
    return sg * (1.0 - s)


def reference(train_emb, valid_emb, train_idx, valid_idx, train_tar, valid_tar, locations, sample_cols):
    # gather integer locations for queries (valid) and sampled candidates (train)
    loc_q = locations[valid_idx]                        # [N_VALID, TP]
    loc_c = locations[train_idx[sample_cols]]           # [S, TP]
    # ct_val: hypercube XOR distance averaged over tp replicas
    ct = _distance(loc_q[:, None, :], loc_c[None, :, :]).mean(axis=-1)   # [N_VALID, S]
    # eu_val: cosine similarity ground truth between embeddings
    ev = valid_emb / (jnp.linalg.norm(valid_emb, axis=1, keepdims=True) + 1e-12)
    et = train_emb[sample_cols]
    et = et / (jnp.linalg.norm(et, axis=1, keepdims=True) + 1e-12)
    eu = ev @ et.T                                       # [N_VALID, S]
    lth = jnp.float32(S)
    # loss_cos: alignment of ct to eu over the sampled mask (mask all-True, converge regime)
    loss_cos = ((ct - eu) ** 2).sum(axis=1) / lth
    # loss_cro: cross-entropy against targets
    p = jax.nn.sigmoid(ct)
    tar = valid_tar[:, None] * train_tar[sample_cols][None, :]
    loss_cro = -(tar * jnp.log(p + 1e-9) + (1.0 - tar) * jnp.log(1.0 - p + 1e-9)).sum(axis=1) / lth
    loss_tot = RATIO_COS * loss_cos + RATIO_CRO * loss_cro
    return loss_tot

if __name__ == "__main__":
    import jax
    _d = setup_inputs()
    print(jax.jit(kernel)(*tuple(_d.values())))

</pallas_src>

<mosaic_0001>
#map = affine_map<(d0, d1) -> (0, 0)>
#map1 = affine_map<(d0, d1) -> (0)>
module attributes {stable_mosaic.version = 14 : i64} {
  func.func @sc_gather(%arg0: i32, %arg1: i32, %arg2: memref<8x100000xi32, #tpu.memory_space<hbm>>, %arg3: memref<4096xi32, #tpu.memory_space<hbm>>, %arg4: memref<16384xi32, #tpu.memory_space<hbm>>, %arg5: memref<512xi32, #tpu.memory_space<hbm>>, %arg6: memref<16384x128xf32, #tpu.memory_space<hbm>>, %arg7: memref<16384xf32, #tpu.memory_space<hbm>>, %arg8: memref<8x4096xi32, #tpu.memory_space<hbm>>, %arg9: memref<8x512xi32, #tpu.memory_space<hbm>>, %arg10: memref<512x128xf32, #tpu.memory_space<hbm>>, %arg11: memref<512xf32, #tpu.memory_space<hbm>>, %arg12: memref<128xi32, #tpu.memory_space<vmem>>, %arg13: memref<8x128xi32, #tpu.memory_space<vmem>>, %arg14: memref<16xi32, #tpu.memory_space<vmem>>, %arg15: memref<16xi32, #tpu.memory_space<vmem>>, %arg16: memref<8x16xi32, #tpu.memory_space<vmem>>, %arg17: memref<16x128xf32, #tpu.memory_space<vmem>>, %arg18: memref<16xf32, #tpu.memory_space<vmem>>, %arg19: memref<!tpu.dma_semaphore, #tpu.memory_space<semaphore_mem>>, %arg20: memref<!tpu.dma_semaphore, #tpu.memory_space<semaphore_mem>>, %arg21: memref<!tpu.dma_semaphore, #tpu.memory_space<semaphore_mem>>, %arg22: memref<!tpu.dma_semaphore, #tpu.memory_space<semaphore_mem>>) attributes {dimension_semantics = [#tpu.dimension_semantics<core_parallel>, #tpu.dimension_semantics<subcore_parallel>], iteration_bounds = array<i64: 2, 16>, scalar_prefetch = 0 : i64, scratch_operands = 11 : i64, tpu.core_type = #tpu.core_type<sc_vector_subcore>, window_params = [{transform_indices = #map}, {transform_indices = #map1}, {transform_indices = #map1}, {transform_indices = #map1}, {transform_indices = #map}, {transform_indices = #map1}, {transform_indices = #map}, {transform_indices = #map}, {transform_indices = #map}, {transform_indices = #map1}]} {
    %mul3A = arith.constant 2 : i32
    %mul3A_0 = arith.muli %arg1, %mul3A : i32
    %add3A = arith.addi %mul3A_0, %arg0 : i32
    %mul3A_1 = arith.constant 128 : i32
    %mul3A_2 = arith.muli %add3A, %mul3A_1 : i32
    %mul3A_3 = arith.constant 16 : i32
    %mul3A_4 = arith.muli %add3A, %mul3A_3 : i32
    "tpu.region"() ({
      %run_scoped3A = tpu.sem_alloc : memref<!tpu.dma_semaphore, #tpu.memory_space<semaphore_mem>>
      %dma_start3A_337 = tpu.memref_slice %arg3[%mul3A_2] : memref<4096xi32, #tpu.memory_space<hbm>> -> memref<128xi32, #tpu.memory_space<hbm>>
      %dma_start3A_338 = tpu.memref_slice %arg3[%mul3A_2] : memref<4096xi32, #tpu.memory_space<hbm>> -> memref<128xi32, #tpu.memory_space<hbm>>
      tpu.enqueue_dma source(%dma_start3A_338 : memref<128xi32, #tpu.memory_space<hbm>>) target(%arg12 : memref<128xi32, #tpu.memory_space<vmem>>) target_semaphore(%run_scoped3A : memref<!tpu.dma_semaphore, #tpu.memory_space<semaphore_mem>>)
      %dma_wait3A_339 = tpu.memref_slice %arg3[%mul3A_2] : memref<4096xi32, #tpu.memory_space<hbm>> -> memref<128xi32, #tpu.memory_space<hbm>>
      %dma_wait3A_340 = tpu.memref_slice %arg3[%mul3A_2] : memref<4096xi32, #tpu.memory_space<hbm>> -> memref<128xi32, #tpu.memory_space<hbm>>
      tpu.wait_dma2 semaphore(%run_scoped3A : memref<!tpu.dma_semaphore, #tpu.memory_space<semaphore_mem>>) src(%dma_wait3A_340 : memref<128xi32, #tpu.memory_space<hbm>>) dst(%arg12 : memref<128xi32, #tpu.memory_space<vmem>>)
      tpu.yield
    }) : () -> ()
    "tpu.region"() ({
      %run_scoped3A = tpu.sem_alloc : memref<!tpu.dma_semaphore, #tpu.memory_space<semaphore_mem>>
      %dma_start3A_337 = tpu.memref_slice %arg5[%mul3A_4] : memref<512xi32, #tpu.memory_space<hbm>> -> memref<16xi32, #tpu.memory_space<hbm>>
      %dma_start3A_338 = tpu.memref_slice %arg5[%mul3A_4] : memref<512xi32, #tpu.memory_space<hbm>> -> memref<16xi32, #tpu.memory_space<hbm>>
      tpu.enqueue_dma source(%dma_start3A_338 : memref<16xi32, #tpu.memory_space<hbm>>) target(%arg14 : memref<16xi32, #tpu.memory_space<vmem>>) target_semaphore(%run_scoped3A : memref<!tpu.dma_semaphore, #tpu.memory_space<semaphore_mem>>)
      %dma_wait3A_339 = tpu.memref_slice %arg5[%mul3A_4] : memref<512xi32, #tpu.memory_space<hbm>> -> memref<16xi32, #tpu.memory_space<hbm>>
      %dma_wait3A_340 = tpu.memref_slice %arg5[%mul3A_4] : memref<512xi32, #tpu.memory_space<hbm>> -> memref<16xi32, #tpu.memory_space<hbm>>
      tpu.wait_dma2 semaphore(%run_scoped3A : memref<!tpu.dma_semaphore, #tpu.memory_space<semaphore_mem>>) src(%dma_wait3A_340 : memref<16xi32, #tpu.memory_space<hbm>>) dst(%arg14 : memref<16xi32, #tpu.memory_space<vmem>>)
      tpu.yield
    }) : () -> ()
    %dma_start3A = arith.constant 0 : i32
    %dma_start3A_5 = arith.constant 0 : i32
    %dma_start3A_6 = arith.constant 0 : i32
    %dma_start3A_7 = tpu.memref_slice %arg13[%dma_start3A_5, %dma_start3A_6] : memref<8x128xi32, #tpu.memory_space<vmem>> -> memref<1x128xi32, #tpu.memory_space<vmem>>
    %dma_start3A_8 = tpu.memref_squeeze %dma_start3A_7 : memref<1x128xi32, #tpu.memory_space<vmem>> -> memref<128xi32, #tpu.memory_space<vmem>>
    %dma_start3A_9 = arith.constant 0 : i32
    %dma_start3A_10 = tpu.memref_slice %arg2[%dma_start3A, %dma_start3A_9] : memref<8x100000xi32, #tpu.memory_space<hbm>> -> memref<1x100000xi32, #tpu.memory_space<hbm>>
    %dma_start3A_11 = tpu.memref_squeeze %dma_start3A_10 : memref<1x100000xi32, #tpu.memory_space<hbm>> -> memref<100000xi32, #tpu.memory_space<hbm>>
    %dma_start3A_12 = arith.constant 0 : i32
    %dma_start3A_13 = tpu.memref_slice %dma_start3A_11[%dma_start3A_12] : memref<100000xi32, #tpu.memory_space<hbm>> -> memref<100000xi32, #tpu.memory_space<hbm>>
    tpu.enqueue_indirect_dma source(%dma_start3A_13 : memref<100000xi32, #tpu.memory_space<hbm>>) target(%dma_start3A_8 : memref<128xi32, #tpu.memory_space<vmem>>) offsets(%arg12 : memref<128xi32, #tpu.memory_space<vmem>>) semaphore(%arg19 : memref<!tpu.dma_semaphore, #tpu.memory_space<semaphore_mem>>)
    %dma_start3A_14 = arith.constant 1 : i32
    %dma_start3A_15 = arith.constant 1 : i32
    %dma_start3A_16 = arith.constant 0 : i32
    %dma_start3A_17 = tpu.memref_slice %arg13[%dma_start3A_15, %dma_start3A_16] : memref<8x128xi32, #tpu.memory_space<vmem>> -> memref<1x128xi32, #tpu.memory_space<vmem>>
    %dma_start3A_18 = tpu.memref_squeeze %dma_start3A_17 : memref<1x128xi32, #tpu.memory_space<vmem>> -> memref<128xi32, #tpu.memory_space<vmem>>
    %dma_start3A_19 = arith.constant 0 : i32
    %dma_start3A_20 = tpu.memref_slice %arg2[%dma_start3A_14, %dma_start3A_19] : memref<8x100000xi32, #tpu.memory_space<hbm>> -> memref<1x100000xi32, #tpu.memory_space<hbm>>
    %dma_start3A_21 = tpu.memref_squeeze %dma_start3A_20 : memref<1x100000xi32, #tpu.memory_space<hbm>> -> memref<100000xi32, #tpu.memory_space<hbm>>
    %dma_start3A_22 = arith.constant 0 : i32
    %dma_start3A_23 = tpu.memref_slice %dma_start3A_21[%dma_start3A_22] : memref<100000xi32, #tpu.memory_space<hbm>> -> memref<100000xi32, #tpu.memory_space<hbm>>
    tpu.enqueue_indirect_dma source(%dma_start3A_23 : memref<100000xi32, #tpu.memory_space<hbm>>) target(%dma_start3A_18 : memref<128xi32, #tpu.memory_space<vmem>>) offsets(%arg12 : memref<128xi32, #tpu.memory_space<vmem>>) semaphore(%arg19 : memref<!tpu.dma_semaphore, #tpu.memory_space<semaphore_mem>>)
    %dma_start3A_24 = arith.constant 2 : i32
    %dma_start3A_25 = arith.constant 2 : i32
    %dma_start3A_26 = arith.constant 0 : i32
    %dma_start3A_27 = tpu.memref_slice %arg13[%dma_start3A_25, %dma_start3A_26] : memref<8x128xi32, #tpu.memory_space<vmem>> -> memref<1x128xi32, #tpu.memory_space<vmem>>
    %dma_start3A_28 = tpu.memref_squeeze %dma_start3A_27 : memref<1x128xi32, #tpu.memory_space<vmem>> -> memref<128xi32, #tpu.memory_space<vmem>>
    %dma_start3A_29 = arith.constant 0 : i32
    %dma_start3A_30 = tpu.memref_slice %arg2[%dma_start3A_24, %dma_start3A_29] : memref<8x100000xi32, #tpu.memory_space<hbm>> -> memref<1x100000xi32, #tpu.memory_space<hbm>>
    %dma_start3A_31 = tpu.memref_squeeze %dma_start3A_30 : memref<1x100000xi32, #tpu.memory_space<hbm>> -> memref<100000xi32, #tpu.memory_space<hbm>>
    %dma_start3A_32 = arith.constant 0 : i32
    %dma_start3A_33 = tpu.memref_slice %dma_start3A_31[%dma_start3A_32] : memref<100000xi32, #tpu.memory_space<hbm>> -> memref<100000xi32, #tpu.memory_space<hbm>>
    tpu.enqueue_indirect_dma source(%dma_start3A_33 : memref<100000xi32, #tpu.memory_space<hbm>>) target(%dma_start3A_28 : memref<128xi32, #tpu.memory_space<vmem>>) offsets(%arg12 : memref<128xi32, #tpu.memory_space<vmem>>) semaphore(%arg19 : memref<!tpu.dma_semaphore, #tpu.memory_space<semaphore_mem>>)
    %dma_start3A_34 = arith.constant 3 : i32
    %dma_start3A_35 = arith.constant 3 : i32
    %dma_start3A_36 = arith.constant 0 : i32
    %dma_start3A_37 = tpu.memref_slice %arg13[%dma_start3A_35, %dma_start3A_36] : memref<8x128xi32, #tpu.memory_space<vmem>> -> memref<1x128xi32, #tpu.memory_space<vmem>>
    %dma_start3A_38 = tpu.memref_squeeze %dma_start3A_37 : memref<1x128xi32, #tpu.memory_space<vmem>> -> memref<128xi32, #tpu.memory_space<vmem>>
    %dma_start3A_39 = arith.constant 0 : i32
    %dma_start3A_40 = tpu.memref_slice %arg2[%dma_start3A_34, %dma_start3A_39] : memref<8x100000xi32, #tpu.memory_space<hbm>> -> memref<1x100000xi32, #tpu.memory_space<hbm>>
    %dma_start3A_41 = tpu.memref_squeeze %dma_start3A_40 : memref<1x100000xi32, #tpu.memory_space<hbm>> -> memref<100000xi32, #tpu.memory_space<hbm>>
    %dma_start3A_42 = arith.constant 0 : i32
    %dma_start3A_43 = tpu.memref_slice %dma_start3A_41[%dma_start3A_42] : memref<100000xi32, #tpu.memory_space<hbm>> -> memref<100000xi32, #tpu.memory_space<hbm>>
    tpu.enqueue_indirect_dma source(%dma_start3A_43 : memref<100000xi32, #tpu.memory_space<hbm>>) target(%dma_start3A_38 : memref<128xi32, #tpu.memory_space<vmem>>) offsets(%arg12 : memref<128xi32, #tpu.memory_space<vmem>>) semaphore(%arg19 : memref<!tpu.dma_semaphore, #tpu.memory_space<semaphore_mem>>)
    %dma_start3A_44 = arith.constant 4 : i32
    %dma_start3A_45 = arith.constant 4 : i32
    %dma_start3A_46 = arith.constant 0 : i32
    %dma_start3A_47 = tpu.memref_slice %arg13[%dma_start3A_45, %dma_start3A_46] : memref<8x128xi32, #tpu.memory_space<vmem>> -> memref<1x128xi32, #tpu.memory_space<vmem>>
    %dma_start3A_48 = tpu.memref_squeeze %dma_start3A_47 : memref<1x128xi32, #tpu.memory_space<vmem>> -> memref<128xi32, #tpu.memory_space<vmem>>
    %dma_start3A_49 = arith.constant 0 : i32
    %dma_start3A_50 = tpu.memref_slice %arg2[%dma_start3A_44, %dma_start3A_49] : memref<8x100000xi32, #tpu.memory_space<hbm>> -> memref<1x100000xi32, #tpu.memory_space<hbm>>
    %dma_start3A_51 = tpu.memref_squeeze %dma_start3A_50 : memref<1x100000xi32, #tpu.memory_space<hbm>> -> memref<100000xi32, #tpu.memory_space<hbm>>
    %dma_start3A_52 = arith.constant 0 : i32
    %dma_start3A_53 = tpu.memref_slice %dma_start3A_51[%dma_start3A_52] : memref<100000xi32, #tpu.memory_space<hbm>> -> memref<100000xi32, #tpu.memory_space<hbm>>
    tpu.enqueue_indirect_dma source(%dma_start3A_53 : memref<100000xi32, #tpu.memory_space<hbm>>) target(%dma_start3A_48 : memref<128xi32, #tpu.memory_space<vmem>>) offsets(%arg12 : memref<128xi32, #tpu.memory_space<vmem>>) semaphore(%arg19 : memref<!tpu.dma_semaphore, #tpu.memory_space<semaphore_mem>>)
    %dma_start3A_54 = arith.constant 5 : i32
    %dma_start3A_55 = arith.constant 5 : i32
    %dma_start3A_56 = arith.constant 0 : i32
    %dma_start3A_57 = tpu.memref_slice %arg13[%dma_start3A_55, %dma_start3A_56] : memref<8x128xi32, #tpu.memory_space<vmem>> -> memref<1x128xi32, #tpu.memory_space<vmem>>
    %dma_start3A_58 = tpu.memref_squeeze %dma_start3A_57 : memref<1x128xi32, #tpu.memory_space<vmem>> -> memref<128xi32, #tpu.memory_space<vmem>>
    %dma_start3A_59 = arith.constant 0 : i32
    %dma_start3A_60 = tpu.memref_slice %arg2[%dma_start3A_54, %dma_start3A_59] : memref<8x100000xi32, #tpu.memory_space<hbm>> -> memref<1x100000xi32, #tpu.memory_space<hbm>>
    %dma_start3A_61 = tpu.memref_squeeze %dma_start3A_60 : memref<1x100000xi32, #tpu.memory_space<hbm>> -> memref<100000xi32, #tpu.memory_space<hbm>>
    %dma_start3A_62 = arith.constant 0 : i32
    %dma_start3A_63 = tpu.memref_slice %dma_start3A_61[%dma_start3A_62] : memref<100000xi32, #tpu.memory_space<hbm>> -> memref<100000xi32, #tpu.memory_space<hbm>>
    tpu.enqueue_indirect_dma source(%dma_start3A_63 : memref<100000xi32, #tpu.memory_space<hbm>>) target(%dma_start3A_58 : memref<128xi32, #tpu.memory_space<vmem>>) offsets(%arg12 : memref<128xi32, #tpu.memory_space<vmem>>) semaphore(%arg19 : memref<!tpu.dma_semaphore, #tpu.memory_space<semaphore_mem>>)
    %dma_start3A_64 = arith.constant 6 : i32
    %dma_start3A_65 = arith.constant 6 : i32
    %dma_start3A_66 = arith.constant 0 : i32
    %dma_start3A_67 = tpu.memref_slice %arg13[%dma_start3A_65, %dma_start3A_66] : memref<8x128xi32, #tpu.memory_space<vmem>> -> memref<1x128xi32, #tpu.memory_space<vmem>>
    %dma_start3A_68 = tpu.memref_squeeze %dma_start3A_67 : memref<1x128xi32, #tpu.memory_space<vmem>> -> memref<128xi32, #tpu.memory_space<vmem>>
    %dma_start3A_69 = arith.constant 0 : i32
    %dma_start3A_70 = tpu.memref_slice %arg2[%dma_start3A_64, %dma_start3A_69] : memref<8x100000xi32, #tpu.memory_space<hbm>> -> memref<1x100000xi32, #tpu.memory_space<hbm>>
    %dma_start3A_71 = tpu.memref_squeeze %dma_start3A_70 : memref<1x100000xi32, #tpu.memory_space<hbm>> -> memref<100000xi32, #tpu.memory_space<hbm>>
    %dma_start3A_72 = arith.constant 0 : i32
    %dma_start3A_73 = tpu.memref_slice %dma_start3A_71[%dma_start3A_72] : memref<100000xi32, #tpu.memory_space<hbm>> -> memref<100000xi32, #tpu.memory_space<hbm>>
    tpu.enqueue_indirect_dma source(%dma_start3A_73 : memref<100000xi32, #tpu.memory_space<hbm>>) target(%dma_start3A_68 : memref<128xi32, #tpu.memory_space<vmem>>) offsets(%arg12 : memref<128xi32, #tpu.memory_space<vmem>>) semaphore(%arg19 : memref<!tpu.dma_semaphore, #tpu.memory_space<semaphore_mem>>)
    %dma_start3A_74 = arith.constant 7 : i32
    %dma_start3A_75 = arith.constant 7 : i32
    %dma_start3A_76 = arith.constant 0 : i32
    %dma_start3A_77 = tpu.memref_slice %arg13[%dma_start3A_75, %dma_start3A_76] : memref<8x128xi32, #tpu.memory_space<vmem>> -> memref<1x128xi32, #tpu.memory_space<vmem>>
    %dma_start3A_78 = tpu.memref_squeeze %dma_start3A_77 : memref<1x128xi32, #tpu.memory_space<vmem>> -> memref<128xi32, #tpu.memory_space<vmem>>
    %dma_start3A_79 = arith.constant 0 : i32
    %dma_start3A_80 = tpu.memref_slice %arg2[%dma_start3A_74, %dma_start3A_79] : memref<8x100000xi32, #tpu.memory_space<hbm>> -> memref<1x100000xi32, #tpu.memory_space<hbm>>
    %dma_start3A_81 = tpu.memref_squeeze %dma_start3A_80 : memref<1x100000xi32, #tpu.memory_space<hbm>> -> memref<100000xi32, #tpu.memory_space<hbm>>
    %dma_start3A_82 = arith.constant 0 : i32
    %dma_start3A_83 = tpu.memref_slice %dma_start3A_81[%dma_start3A_82] : memref<100000xi32, #tpu.memory_space<hbm>> -> memref<100000xi32, #tpu.memory_space<hbm>>
    tpu.enqueue_indirect_dma source(%dma_start3A_83 : memref<100000xi32, #tpu.memory_space<hbm>>) target(%dma_start3A_78 : memref<128xi32, #tpu.memory_space<vmem>>) offsets(%arg12 : memref<128xi32, #tpu.memory_space<vmem>>) semaphore(%arg19 : memref<!tpu.dma_semaphore, #tpu.memory_space<semaphore_mem>>)
    %dma_start3A_84 = arith.constant 0 : i32
    %dma_start3A_85 = tpu.memref_slice %arg4[%dma_start3A_84] : memref<16384xi32, #tpu.memory_space<hbm>> -> memref<16384xi32, #tpu.memory_space<hbm>>
    tpu.enqueue_indirect_dma source(%dma_start3A_85 : memref<16384xi32, #tpu.memory_space<hbm>>) target(%arg15 : memref<16xi32, #tpu.memory_space<vmem>>) offsets(%arg14 : memref<16xi32, #tpu.memory_space<vmem>>) semaphore(%arg20 : memref<!tpu.dma_semaphore, #tpu.memory_space<semaphore_mem>>)
    %dma_wait3A = arith.constant 0 : i32
    %dma_wait3A_86 = tpu.memref_slice %arg4[%dma_wait3A] : memref<16384xi32, #tpu.memory_space<hbm>> -> memref<16384xi32, #tpu.memory_space<hbm>>
    tpu.wait_indirect_dma semaphore(%arg20 : memref<!tpu.dma_semaphore, #tpu.memory_space<semaphore_mem>>) src(%dma_wait3A_86 : memref<16384xi32, #tpu.memory_space<hbm>>) dst(%arg15 : memref<16xi32, #tpu.memory_space<vmem>>)
    %dma_start3A_87 = arith.constant 0 : i32
    %dma_start3A_88 = arith.constant 0 : i32
    %dma_start3A_89 = arith.constant 0 : i32
    %dma_start3A_90 = tpu.memref_slice %arg16[%dma_start3A_88, %dma_start3A_89] : memref<8x16xi32, #tpu.memory_space<vmem>> -> memref<1x16xi32, #tpu.memory_space<vmem>>
    %dma_start3A_91 = tpu.memref_squeeze %dma_start3A_90 : memref<1x16xi32, #tpu.memory_space<vmem>> -> memref<16xi32, #tpu.memory_space<vmem>>
    %dma_start3A_92 = arith.constant 0 : i32
    %dma_start3A_93 = tpu.memref_slice %arg2[%dma_start3A_87, %dma_start3A_92] : memref<8x100000xi32, #tpu.memory_space<hbm>> -> memref<1x100000xi32, #tpu.memory_space<hbm>>
    %dma_start3A_94 = tpu.memref_squeeze %dma_start3A_93 : memref<1x100000xi32, #tpu.memory_space<hbm>> -> memref<100000xi32, #tpu.memory_space<hbm>>
    %dma_start3A_95 = arith.constant 0 : i32
    %dma_start3A_96 = tpu.memref_slice %dma_start3A_94[%dma_start3A_95] : memref<100000xi32, #tpu.memory_space<hbm>> -> memref<100000xi32, #tpu.memory_space<hbm>>
    tpu.enqueue_indirect_dma source(%dma_start3A_96 : memref<100000xi32, #tpu.memory_space<hbm>>) target(%dma_start3A_91 : memref<16xi32, #tpu.memory_space<vmem>>) offsets(%arg15 : memref<16xi32, #tpu.memory_space<vmem>>) semaphore(%arg20 : memref<!tpu.dma_semaphore, #tpu.memory_space<semaphore_mem>>)
    %dma_start3A_97 = arith.constant 1 : i32
    %dma_start3A_98 = arith.constant 1 : i32
    %dma_start3A_99 = arith.constant 0 : i32
    %dma_start3A_100 = tpu.memref_slice %arg16[%dma_start3A_98, %dma_start3A_99] : memref<8x16xi32, #tpu.memory_space<vmem>> -> memref<1x16xi32, #tpu.memory_space<vmem>>
    %dma_start3A_101 = tpu.memref_squeeze %dma_start3A_100 : memref<1x16xi32, #tpu.memory_space<vmem>> -> memref<16xi32, #tpu.memory_space<vmem>>
    %dma_start3A_102 = arith.constant 0 : i32
    %dma_start3A_103 = tpu.memref_slice %arg2[%dma_start3A_97, %dma_start3A_102] : memref<8x100000xi32, #tpu.memory_space<hbm>> -> memref<1x100000xi32, #tpu.memory_space<hbm>>
    %dma_start3A_104 = tpu.memref_squeeze %dma_start3A_103 : memref<1x100000xi32, #tpu.memory_space<hbm>> -> memref<100000xi32, #tpu.memory_space<hbm>>
    %dma_start3A_105 = arith.constant 0 : i32
    %dma_start3A_106 = tpu.memref_slice %dma_start3A_104[%dma_start3A_105] : memref<100000xi32, #tpu.memory_space<hbm>> -> memref<100000xi32, #tpu.memory_space<hbm>>
    tpu.enqueue_indirect_dma source(%dma_start3A_106 : memref<100000xi32, #tpu.memory_space<hbm>>) target(%dma_start3A_101 : memref<16xi32, #tpu.memory_space<vmem>>) offsets(%arg15 : memref<16xi32, #tpu.memory_space<vmem>>) semaphore(%arg20 : memref<!tpu.dma_semaphore, #tpu.memory_space<semaphore_mem>>)
    %dma_start3A_107 = arith.constant 2 : i32
    %dma_start3A_108 = arith.constant 2 : i32
    %dma_start3A_109 = arith.constant 0 : i32
    %dma_start3A_110 = tpu.memref_slice %arg16[%dma_start3A_108, %dma_start3A_109] : memref<8x16xi32, #tpu.memory_space<vmem>> -> memref<1x16xi32, #tpu.memory_space<vmem>>
    %dma_start3A_111 = tpu.memref_squeeze %dma_start3A_110 : memref<1x16xi32, #tpu.memory_space<vmem>> -> memref<16xi32, #tpu.memory_space<vmem>>
    %dma_start3A_112 = arith.constant 0 : i32
    %dma_start3A_113 = tpu.memref_slice %arg2[%dma_start3A_107, %dma_start3A_112] : memref<8x100000xi32, #tpu.memory_space<hbm>> -> memref<1x100000xi32, #tpu.memory_space<hbm>>
    %dma_start3A_114 = tpu.memref_squeeze %dma_start3A_113 : memref<1x100000xi32, #tpu.memory_space<hbm>> -> memref<100000xi32, #tpu.memory_space<hbm>>
    %dma_start3A_115 = arith.constant 0 : i32
    %dma_start3A_116 = tpu.memref_slice %dma_start3A_114[%dma_start3A_115] : memref<100000xi32, #tpu.memory_space<hbm>> -> memref<100000xi32, #tpu.memory_space<hbm>>
    tpu.enqueue_indirect_dma source(%dma_start3A_116 : memref<100000xi32, #tpu.memory_space<hbm>>) target(%dma_start3A_111 : memref<16xi32, #tpu.memory_space<vmem>>) offsets(%arg15 : memref<16xi32, #tpu.memory_space<vmem>>) semaphore(%arg20 : memref<!tpu.dma_semaphore, #tpu.memory_space<semaphore_mem>>)
    %dma_start3A_117 = arith.constant 3 : i32
    %dma_start3A_118 = arith.constant 3 : i32
    %dma_start3A_119 = arith.constant 0 : i32
    %dma_start3A_120 = tpu.memref_slice %arg16[%dma_start3A_118, %dma_start3A_119] : memref<8x16xi32, #tpu.memory_space<vmem>> -> memref<1x16xi32, #tpu.memory_space<vmem>>
    %dma_start3A_121 = tpu.memref_squeeze %dma_start3A_120 : memref<1x16xi32, #tpu.memory_space<vmem>> -> memref<16xi32, #tpu.memory_space<vmem>>
    %dma_start3A_122 = arith.constant 0 : i32
    %dma_start3A_123 = tpu.memref_slice %arg2[%dma_start3A_117, %dma_start3A_122] : memref<8x100000xi32, #tpu.memory_space<hbm>> -> memref<1x100000xi32, #tpu.memory_space<hbm>>
    %dma_start3A_124 = tpu.memref_squeeze %dma_start3A_123 : memref<1x100000xi32, #tpu.memory_space<hbm>> -> memref<100000xi32, #tpu.memory_space<hbm>>
    %dma_start3A_125 = arith.constant 0 : i32
    %dma_start3A_126 = tpu.memref_slice %dma_start3A_124[%dma_start3A_125] : memref<100000xi32, #tpu.memory_space<hbm>> -> memref<100000xi32, #tpu.memory_space<hbm>>
    tpu.enqueue_indirect_dma source(%dma_start3A_126 : memref<100000xi32, #tpu.memory_space<hbm>>) target(%dma_start3A_121 : memref<16xi32, #tpu.memory_space<vmem>>) offsets(%arg15 : memref<16xi32, #tpu.memory_space<vmem>>) semaphore(%arg20 : memref<!tpu.dma_semaphore, #tpu.memory_space<semaphore_mem>>)
    %dma_start3A_127 = arith.constant 4 : i32
    %dma_start3A_128 = arith.constant 4 : i32
    %dma_start3A_129 = arith.constant 0 : i32
    %dma_start3A_130 = tpu.memref_slice %arg16[%dma_start3A_128, %dma_start3A_129] : memref<8x16xi32, #tpu.memory_space<vmem>> -> memref<1x16xi32, #tpu.memory_space<vmem>>
    %dma_start3A_131 = tpu.memref_squeeze %dma_start3A_130 : memref<1x16xi32, #tpu.memory_space<vmem>> -> memref<16xi32, #tpu.memory_space<vmem>>
    %dma_start3A_132 = arith.constant 0 : i32
    %dma_start3A_133 = tpu.memref_slice %arg2[%dma_start3A_127, %dma_start3A_132] : memref<8x100000xi32, #tpu.memory_space<hbm>> -> memref<1x100000xi32, #tpu.memory_space<hbm>>
    %dma_start3A_134 = tpu.memref_squeeze %dma_start3A_133 : memref<1x100000xi32, #tpu.memory_space<hbm>> -> memref<100000xi32, #tpu.memory_space<hbm>>
    %dma_start3A_135 = arith.constant 0 : i32
    %dma_start3A_136 = tpu.memref_slice %dma_start3A_134[%dma_start3A_135] : memref<100000xi32, #tpu.memory_space<hbm>> -> memref<100000xi32, #tpu.memory_space<hbm>>
    tpu.enqueue_indirect_dma source(%dma_start3A_136 : memref<100000xi32, #tpu.memory_space<hbm>>) target(%dma_start3A_131 : memref<16xi32, #tpu.memory_space<vmem>>) offsets(%arg15 : memref<16xi32, #tpu.memory_space<vmem>>) semaphore(%arg20 : memref<!tpu.dma_semaphore, #tpu.memory_space<semaphore_mem>>)
    %dma_start3A_137 = arith.constant 5 : i32
    %dma_start3A_138 = arith.constant 5 : i32
    %dma_start3A_139 = arith.constant 0 : i32
    %dma_start3A_140 = tpu.memref_slice %arg16[%dma_start3A_138, %dma_start3A_139] : memref<8x16xi32, #tpu.memory_space<vmem>> -> memref<1x16xi32, #tpu.memory_space<vmem>>
    %dma_start3A_141 = tpu.memref_squeeze %dma_start3A_140 : memref<1x16xi32, #tpu.memory_space<vmem>> -> memref<16xi32, #tpu.memory_space<vmem>>
    %dma_start3A_142 = arith.constant 0 : i32
    %dma_start3A_143 = tpu.memref_slice %arg2[%dma_start3A_137, %dma_start3A_142] : memref<8x100000xi32, #tpu.memory_space<hbm>> -> memref<1x100000xi32, #tpu.memory_space<hbm>>
    %dma_start3A_144 = tpu.memref_squeeze %dma_start3A_143 : memref<1x100000xi32, #tpu.memory_space<hbm>> -> memref<100000xi32, #tpu.memory_space<hbm>>
    %dma_start3A_145 = arith.constant 0 : i32
    %dma_start3A_146 = tpu.memref_slice %dma_start3A_144[%dma_start3A_145] : memref<100000xi32, #tpu.memory_space<hbm>> -> memref<100000xi32, #tpu.memory_space<hbm>>
    tpu.enqueue_indirect_dma source(%dma_start3A_146 : memref<100000xi32, #tpu.memory_space<hbm>>) target(%dma_start3A_141 : memref<16xi32, #tpu.memory_space<vmem>>) offsets(%arg15 : memref<16xi32, #tpu.memory_space<vmem>>) semaphore(%arg20 : memref<!tpu.dma_semaphore, #tpu.memory_space<semaphore_mem>>)
    %dma_start3A_147 = arith.constant 6 : i32
    %dma_start3A_148 = arith.constant 6 : i32
    %dma_start3A_149 = arith.constant 0 : i32
    %dma_start3A_150 = tpu.memref_slice %arg16[%dma_start3A_148, %dma_start3A_149] : memref<8x16xi32, #tpu.memory_space<vmem>> -> memref<1x16xi32, #tpu.memory_space<vmem>>
    %dma_start3A_151 = tpu.memref_squeeze %dma_start3A_150 : memref<1x16xi32, #tpu.memory_space<vmem>> -> memref<16xi32, #tpu.memory_space<vmem>>
    %dma_start3A_152 = arith.constant 0 : i32
    %dma_start3A_153 = tpu.memref_slice %arg2[%dma_start3A_147, %dma_start3A_152] : memref<8x100000xi32, #tpu.memory_space<hbm>> -> memref<1x100000xi32, #tpu.memory_space<hbm>>
    %dma_start3A_154 = tpu.memref_squeeze %dma_start3A_153 : memref<1x100000xi32, #tpu.memory_space<hbm>> -> memref<100000xi32, #tpu.memory_space<hbm>>
    %dma_start3A_155 = arith.constant 0 : i32
    %dma_start3A_156 = tpu.memref_slice %dma_start3A_154[%dma_start3A_155] : memref<100000xi32, #tpu.memory_space<hbm>> -> memref<100000xi32, #tpu.memory_space<hbm>>
    tpu.enqueue_indirect_dma source(%dma_start3A_156 : memref<100000xi32, #tpu.memory_space<hbm>>) target(%dma_start3A_151 : memref<16xi32, #tpu.memory_space<vmem>>) offsets(%arg15 : memref<16xi32, #tpu.memory_space<vmem>>) semaphore(%arg20 : memref<!tpu.dma_semaphore, #tpu.memory_space<semaphore_mem>>)
    %dma_start3A_157 = arith.constant 7 : i32
    %dma_start3A_158 = arith.constant 7 : i32
    %dma_start3A_159 = arith.constant 0 : i32
    %dma_start3A_160 = tpu.memref_slice %arg16[%dma_start3A_158, %dma_start3A_159] : memref<8x16xi32, #tpu.memory_space<vmem>> -> memref<1x16xi32, #tpu.memory_space<vmem>>
    %dma_start3A_161 = tpu.memref_squeeze %dma_start3A_160 : memref<1x16xi32, #tpu.memory_space<vmem>> -> memref<16xi32, #tpu.memory_space<vmem>>
    %dma_start3A_162 = arith.constant 0 : i32
    %dma_start3A_163 = tpu.memref_slice %arg2[%dma_start3A_157, %dma_start3A_162] : memref<8x100000xi32, #tpu.memory_space<hbm>> -> memref<1x100000xi32, #tpu.memory_space<hbm>>
    %dma_start3A_164 = tpu.memref_squeeze %dma_start3A_163 : memref<1x100000xi32, #tpu.memory_space<hbm>> -> memref<100000xi32, #tpu.memory_space<hbm>>
    %dma_start3A_165 = arith.constant 0 : i32
    %dma_start3A_166 = tpu.memref_slice %dma_start3A_164[%dma_start3A_165] : memref<100000xi32, #tpu.memory_space<hbm>> -> memref<100000xi32, #tpu.memory_space<hbm>>
    tpu.enqueue_indirect_dma source(%dma_start3A_166 : memref<100000xi32, #tpu.memory_space<hbm>>) target(%dma_start3A_161 : memref<16xi32, #tpu.memory_space<vmem>>) offsets(%arg15 : memref<16xi32, #tpu.memory_space<vmem>>) semaphore(%arg20 : memref<!tpu.dma_semaphore, #tpu.memory_space<semaphore_mem>>)
    %dma_start3A_167 = arith.constant 0 : i32
    %dma_start3A_168 = arith.constant 0 : i32
    %dma_start3A_169 = tpu.memref_slice %arg6[%dma_start3A_167, %dma_start3A_168] : memref<16384x128xf32, #tpu.memory_space<hbm>> -> memref<16384x128xf32, #tpu.memory_space<hbm>>
    tpu.enqueue_indirect_dma source(%dma_start3A_169 : memref<16384x128xf32, #tpu.memory_space<hbm>>) target(%arg17 : memref<16x128xf32, #tpu.memory_space<vmem>>) offsets(%arg14 : memref<16xi32, #tpu.memory_space<vmem>>) semaphore(%arg21 : memref<!tpu.dma_semaphore, #tpu.memory_space<semaphore_mem>>)
    %dma_start3A_170 = arith.constant 0 : i32
    %dma_start3A_171 = tpu.memref_slice %arg7[%dma_start3A_170] : memref<16384xf32, #tpu.memory_space<hbm>> -> memref<16384xf32, #tpu.memory_space<hbm>>
    tpu.enqueue_indirect_dma source(%dma_start3A_171 : memref<16384xf32, #tpu.memory_space<hbm>>) target(%arg18 : memref<16xf32, #tpu.memory_space<vmem>>) offsets(%arg14 : memref<16xi32, #tpu.memory_space<vmem>>) semaphore(%arg22 : memref<!tpu.dma_semaphore, #tpu.memory_space<semaphore_mem>>)
    %dma_wait3A_172 = arith.constant 0 : i32
    %dma_wait3A_173 = arith.constant 0 : i32
    %dma_wait3A_174 = arith.constant 0 : i32
    %dma_wait3A_175 = tpu.memref_slice %arg13[%dma_wait3A_173, %dma_wait3A_174] : memref<8x128xi32, #tpu.memory_space<vmem>> -> memref<1x128xi32, #tpu.memory_space<vmem>>
    %dma_wait3A_176 = tpu.memref_squeeze %dma_wait3A_175 : memref<1x128xi32, #tpu.memory_space<vmem>> -> memref<128xi32, #tpu.memory_space<vmem>>
    %dma_wait3A_177 = arith.constant 0 : i32
    %dma_wait3A_178 = tpu.memref_slice %arg2[%dma_wait3A_172, %dma_wait3A_177] : memref<8x100000xi32, #tpu.memory_space<hbm>> -> memref<1x100000xi32, #tpu.memory_space<hbm>>
    %dma_wait3A_179 = tpu.memref_squeeze %dma_wait3A_178 : memref<1x100000xi32, #tpu.memory_space<hbm>> -> memref<100000xi32, #tpu.memory_space<hbm>>
    %dma_wait3A_180 = arith.constant 0 : i32
    %dma_wait3A_181 = tpu.memref_slice %dma_wait3A_179[%dma_wait3A_180] : memref<100000xi32, #tpu.memory_space<hbm>> -> memref<100000xi32, #tpu.memory_space<hbm>>
    tpu.wait_indirect_dma semaphore(%arg19 : memref<!tpu.dma_semaphore, #tpu.memory_space<semaphore_mem>>) src(%dma_wait3A_181 : memref<100000xi32, #tpu.memory_space<hbm>>) dst(%dma_wait3A_176 : memref<128xi32, #tpu.memory_space<vmem>>)
    %dma_wait3A_182 = arith.constant 1 : i32
    %dma_wait3A_183 = arith.constant 1 : i32
    %dma_wait3A_184 = arith.constant 0 : i32
    %dma_wait3A_185 = tpu.memref_slice %arg13[%dma_wait3A_183, %dma_wait3A_184] : memref<8x128xi32, #tpu.memory_space<vmem>> -> memref<1x128xi32, #tpu.memory_space<vmem>>
    %dma_wait3A_186 = tpu.memref_squeeze %dma_wait3A_185 : memref<1x128xi32, #tpu.memory_space<vmem>> -> memref<128xi32, #tpu.memory_space<vmem>>
    %dma_wait3A_187 = arith.constant 0 : i32
    %dma_wait3A_188 = tpu.memref_slice %arg2[%dma_wait3A_182, %dma_wait3A_187] : memref<8x100000xi32, #tpu.memory_space<hbm>> -> memref<1x100000xi32, #tpu.memory_space<hbm>>
    %dma_wait3A_189 = tpu.memref_squeeze %dma_wait3A_188 : memref<1x100000xi32, #tpu.memory_space<hbm>> -> memref<100000xi32, #tpu.memory_space<hbm>>
    %dma_wait3A_190 = arith.constant 0 : i32
    %dma_wait3A_191 = tpu.memref_slice %dma_wait3A_189[%dma_wait3A_190] : memref<100000xi32, #tpu.memory_space<hbm>> -> memref<100000xi32, #tpu.memory_space<hbm>>
    tpu.wait_indirect_dma semaphore(%arg19 : memref<!tpu.dma_semaphore, #tpu.memory_space<semaphore_mem>>) src(%dma_wait3A_191 : memref<100000xi32, #tpu.memory_space<hbm>>) dst(%dma_wait3A_186 : memref<128xi32, #tpu.memory_space<vmem>>)
    %dma_wait3A_192 = arith.constant 2 : i32
    %dma_wait3A_193 = arith.constant 2 : i32
    %dma_wait3A_194 = arith.constant 0 : i32
    %dma_wait3A_195 = tpu.memref_slice %arg13[%dma_wait3A_193, %dma_wait3A_194] : memref<8x128xi32, #tpu.memory_space<vmem>> -> memref<1x128xi32, #tpu.memory_space<vmem>>
    %dma_wait3A_196 = tpu.memref_squeeze %dma_wait3A_195 : memref<1x128xi32, #tpu.memory_space<vmem>> -> memref<128xi32, #tpu.memory_space<vmem>>
    %dma_wait3A_197 = arith.constant 0 : i32
    %dma_wait3A_198 = tpu.memref_slice %arg2[%dma_wait3A_192, %dma_wait3A_197] : memref<8x100000xi32, #tpu.memory_space<hbm>> -> memref<1x100000xi32, #tpu.memory_space<hbm>>
    %dma_wait3A_199 = tpu.memref_squeeze %dma_wait3A_198 : memref<1x100000xi32, #tpu.memory_space<hbm>> -> memref<100000xi32, #tpu.memory_space<hbm>>
    %dma_wait3A_200 = arith.constant 0 : i32
    %dma_wait3A_201 = tpu.memref_slice %dma_wait3A_199[%dma_wait3A_200] : memref<100000xi32, #tpu.memory_space<hbm>> -> memref<100000xi32, #tpu.memory_space<hbm>>
    tpu.wait_indirect_dma semaphore(%arg19 : memref<!tpu.dma_semaphore, #tpu.memory_space<semaphore_mem>>) src(%dma_wait3A_201 : memref<100000xi32, #tpu.memory_space<hbm>>) dst(%dma_wait3A_196 : memref<128xi32, #tpu.memory_space<vmem>>)
    %dma_wait3A_202 = arith.constant 3 : i32
    %dma_wait3A_203 = arith.constant 3 : i32
    %dma_wait3A_204 = arith.constant 0 : i32
    %dma_wait3A_205 = tpu.memref_slice %arg13[%dma_wait3A_203, %dma_wait3A_204] : memref<8x128xi32, #tpu.memory_space<vmem>> -> memref<1x128xi32, #tpu.memory_space<vmem>>
    %dma_wait3A_206 = tpu.memref_squeeze %dma_wait3A_205 : memref<1x128xi32, #tpu.memory_space<vmem>> -> memref<128xi32, #tpu.memory_space<vmem>>
    %dma_wait3A_207 = arith.constant 0 : i32
    %dma_wait3A_208 = tpu.memref_slice %arg2[%dma_wait3A_202, %dma_wait3A_207] : memref<8x100000xi32, #tpu.memory_space<hbm>> -> memref<1x100000xi32, #tpu.memory_space<hbm>>
    %dma_wait3A_209 = tpu.memref_squeeze %dma_wait3A_208 : memref<1x100000xi32, #tpu.memory_space<hbm>> -> memref<100000xi32, #tpu.memory_space<hbm>>
    %dma_wait3A_210 = arith.constant 0 : i32
    %dma_wait3A_211 = tpu.memref_slice %dma_wait3A_209[%dma_wait3A_210] : memref<100000xi32, #tpu.memory_space<hbm>> -> memref<100000xi32, #tpu.memory_space<hbm>>
    tpu.wait_indirect_dma semaphore(%arg19 : memref<!tpu.dma_semaphore, #tpu.memory_space<semaphore_mem>>) src(%dma_wait3A_211 : memref<100000xi32, #tpu.memory_space<hbm>>) dst(%dma_wait3A_206 : memref<128xi32, #tpu.memory_space<vmem>>)
    %dma_wait3A_212 = arith.constant 4 : i32
    %dma_wait3A_213 = arith.constant 4 : i32
    %dma_wait3A_214 = arith.constant 0 : i32
    %dma_wait3A_215 = tpu.memref_slice %arg13[%dma_wait3A_213, %dma_wait3A_214] : memref<8x128xi32, #tpu.memory_space<vmem>> -> memref<1x128xi32, #tpu.memory_space<vmem>>
    %dma_wait3A_216 = tpu.memref_squeeze %dma_wait3A_215 : memref<1x128xi32, #tpu.memory_space<vmem>> -> memref<128xi32, #tpu.memory_space<vmem>>
    %dma_wait3A_217 = arith.constant 0 : i32
    %dma_wait3A_218 = tpu.memref_slice %arg2[%dma_wait3A_212, %dma_wait3A_217] : memref<8x100000xi32, #tpu.memory_space<hbm>> -> memref<1x100000xi32, #tpu.memory_space<hbm>>
    %dma_wait3A_219 = tpu.memref_squeeze %dma_wait3A_218 : memref<1x100000xi32, #tpu.memory_space<hbm>> -> memref<100000xi32, #tpu.memory_space<hbm>>
    %dma_wait3A_220 = arith.constant 0 : i32
    %dma_wait3A_221 = tpu.memref_slice %dma_wait3A_219[%dma_wait3A_220] : memref<100000xi32, #tpu.memory_space<hbm>> -> memref<100000xi32, #tpu.memory_space<hbm>>
    tpu.wait_indirect_dma semaphore(%arg19 : memref<!tpu.dma_semaphore, #tpu.memory_space<semaphore_mem>>) src(%dma_wait3A_221 : memref<100000xi32, #tpu.memory_space<hbm>>) dst(%dma_wait3A_216 : memref<128xi32, #tpu.memory_space<vmem>>)
    %dma_wait3A_222 = arith.constant 5 : i32
    %dma_wait3A_223 = arith.constant 5 : i32
    %dma_wait3A_224 = arith.constant 0 : i32
    %dma_wait3A_225 = tpu.memref_slice %arg13[%dma_wait3A_223, %dma_wait3A_224] : memref<8x128xi32, #tpu.memory_space<vmem>> -> memref<1x128xi32, #tpu.memory_space<vmem>>
    %dma_wait3A_226 = tpu.memref_squeeze %dma_wait3A_225 : memref<1x128xi32, #tpu.memory_space<vmem>> -> memref<128xi32, #tpu.memory_space<vmem>>
    %dma_wait3A_227 = arith.constant 0 : i32
    %dma_wait3A_228 = tpu.memref_slice %arg2[%dma_wait3A_222, %dma_wait3A_227] : memref<8x100000xi32, #tpu.memory_space<hbm>> -> memref<1x100000xi32, #tpu.memory_space<hbm>>
    %dma_wait3A_229 = tpu.memref_squeeze %dma_wait3A_228 : memref<1x100000xi32, #tpu.memory_space<hbm>> -> memref<100000xi32, #tpu.memory_space<hbm>>
    %dma_wait3A_230 = arith.constant 0 : i32
    %dma_wait3A_231 = tpu.memref_slice %dma_wait3A_229[%dma_wait3A_230] : memref<100000xi32, #tpu.memory_space<hbm>> -> memref<100000xi32, #tpu.memory_space<hbm>>
    tpu.wait_indirect_dma semaphore(%arg19 : memref<!tpu.dma_semaphore, #tpu.memory_space<semaphore_mem>>) src(%dma_wait3A_231 : memref<100000xi32, #tpu.memory_space<hbm>>) dst(%dma_wait3A_226 : memref<128xi32, #tpu.memory_space<vmem>>)
    %dma_wait3A_232 = arith.constant 6 : i32
    %dma_wait3A_233 = arith.constant 6 : i32
    %dma_wait3A_234 = arith.constant 0 : i32
    %dma_wait3A_235 = tpu.memref_slice %arg13[%dma_wait3A_233, %dma_wait3A_234] : memref<8x128xi32, #tpu.memory_space<vmem>> -> memref<1x128xi32, #tpu.memory_space<vmem>>
    %dma_wait3A_236 = tpu.memref_squeeze %dma_wait3A_235 : memref<1x128xi32, #tpu.memory_space<vmem>> -> memref<128xi32, #tpu.memory_space<vmem>>
    %dma_wait3A_237 = arith.constant 0 : i32
    %dma_wait3A_238 = tpu.memref_slice %arg2[%dma_wait3A_232, %dma_wait3A_237] : memref<8x100000xi32, #tpu.memory_space<hbm>> -> memref<1x100000xi32, #tpu.memory_space<hbm>>
    %dma_wait3A_239 = tpu.memref_squeeze %dma_wait3A_238 : memref<1x100000xi32, #tpu.memory_space<hbm>> -> memref<100000xi32, #tpu.memory_space<hbm>>
    %dma_wait3A_240 = arith.constant 0 : i32
    %dma_wait3A_241 = tpu.memref_slice %dma_wait3A_239[%dma_wait3A_240] : memref<100000xi32, #tpu.memory_space<hbm>> -> memref<100000xi32, #tpu.memory_space<hbm>>
    tpu.wait_indirect_dma semaphore(%arg19 : memref<!tpu.dma_semaphore, #tpu.memory_space<semaphore_mem>>) src(%dma_wait3A_241 : memref<100000xi32, #tpu.memory_space<hbm>>) dst(%dma_wait3A_236 : memref<128xi32, #tpu.memory_space<vmem>>)
    %dma_wait3A_242 = arith.constant 7 : i32
    %dma_wait3A_243 = arith.constant 7 : i32
    %dma_wait3A_244 = arith.constant 0 : i32
    %dma_wait3A_245 = tpu.memref_slice %arg13[%dma_wait3A_243, %dma_wait3A_244] : memref<8x128xi32, #tpu.memory_space<vmem>> -> memref<1x128xi32, #tpu.memory_space<vmem>>
    %dma_wait3A_246 = tpu.memref_squeeze %dma_wait3A_245 : memref<1x128xi32, #tpu.memory_space<vmem>> -> memref<128xi32, #tpu.memory_space<vmem>>
    %dma_wait3A_247 = arith.constant 0 : i32
    %dma_wait3A_248 = tpu.memref_slice %arg2[%dma_wait3A_242, %dma_wait3A_247] : memref<8x100000xi32, #tpu.memory_space<hbm>> -> memref<1x100000xi32, #tpu.memory_space<hbm>>
    %dma_wait3A_249 = tpu.memref_squeeze %dma_wait3A_248 : memref<1x100000xi32, #tpu.memory_space<hbm>> -> memref<100000xi32, #tpu.memory_space<hbm>>
    %dma_wait3A_250 = arith.constant 0 : i32
    %dma_wait3A_251 = tpu.memref_slice %dma_wait3A_249[%dma_wait3A_250] : memref<100000xi32, #tpu.memory_space<hbm>> -> memref<100000xi32, #tpu.memory_space<hbm>>
    tpu.wait_indirect_dma semaphore(%arg19 : memref<!tpu.dma_semaphore, #tpu.memory_space<semaphore_mem>>) src(%dma_wait3A_251 : memref<100000xi32, #tpu.memory_space<hbm>>) dst(%dma_wait3A_246 : memref<128xi32, #tpu.memory_space<vmem>>)
    "tpu.region"() ({
      %run_scoped3A = tpu.sem_alloc : memref<!tpu.dma_semaphore, #tpu.memory_space<semaphore_mem>>
      %dma_start3A_337 = arith.constant 0 : i32
      %dma_start3A_338 = tpu.memref_slice %arg8[%dma_start3A_337, %mul3A_2] : memref<8x4096xi32, #tpu.memory_space<hbm>> -> memref<8x128xi32, #tpu.memory_space<hbm>>
      %dma_start3A_339 = arith.constant 0 : i32
      %dma_start3A_340 = tpu.memref_slice %arg8[%dma_start3A_339, %mul3A_2] : memref<8x4096xi32, #tpu.memory_space<hbm>> -> memref<8x128xi32, #tpu.memory_space<hbm>>
      tpu.enqueue_dma source(%arg13 : memref<8x128xi32, #tpu.memory_space<vmem>>) target(%dma_start3A_340 : memref<8x128xi32, #tpu.memory_space<hbm>>) target_semaphore(%run_scoped3A : memref<!tpu.dma_semaphore, #tpu.memory_space<semaphore_mem>>)
      %dma_wait3A_341 = arith.constant 0 : i32
      %dma_wait3A_342 = tpu.memref_slice %arg8[%dma_wait3A_341, %mul3A_2] : memref<8x4096xi32, #tpu.memory_space<hbm>> -> memref<8x128xi32, #tpu.memory_space<hbm>>
      %dma_wait3A_343 = arith.constant 0 : i32
      %dma_wait3A_344 = tpu.memref_slice %arg8[%dma_wait3A_343, %mul3A_2] : memref<8x4096xi32, #tpu.memory_space<hbm>> -> memref<8x128xi32, #tpu.memory_space<hbm>>
      tpu.wait_dma2 semaphore(%run_scoped3A : memref<!tpu.dma_semaphore, #tpu.memory_space<semaphore_mem>>) src(%arg13 : memref<8x128xi32, #tpu.memory_space<vmem>>) dst(%dma_wait3A_344 : memref<8x128xi32, #tpu.memory_space<hbm>>)
      tpu.yield
    }) : () -> ()
    %dma_wait3A_252 = arith.constant 0 : i32
    %dma_wait3A_253 = arith.constant 0 : i32
    %dma_wait3A_254 = arith.constant 0 : i32
    %dma_wait3A_255 = tpu.memref_slice %arg16[%dma_wait3A_253, %dma_wait3A_254] : memref<8x16xi32, #tpu.memory_space<vmem>> -> memref<1x16xi32, #tpu.memory_space<vmem>>
    %dma_wait3A_256 = tpu.memref_squeeze %dma_wait3A_255 : memref<1x16xi32, #tpu.memory_space<vmem>> -> memref<16xi32, #tpu.memory_space<vmem>>
    %dma_wait3A_257 = arith.constant 0 : i32
    %dma_wait3A_258 = tpu.memref_slice %arg2[%dma_wait3A_252, %dma_wait3A_257] : memref<8x100000xi32, #tpu.memory_space<hbm>> -> memref<1x100000xi32, #tpu.memory_space<hbm>>
    %dma_wait3A_259 = tpu.memref_squeeze %dma_wait3A_258 : memref<1x100000xi32, #tpu.memory_space<hbm>> -> memref<100000xi32, #tpu.memory_space<hbm>>
    %dma_wait3A_260 = arith.constant 0 : i32
    %dma_wait3A_261 = tpu.memref_slice %dma_wait3A_259[%dma_wait3A_260] : memref<100000xi32, #tpu.memory_space<hbm>> -> memref<100000xi32, #tpu.memory_space<hbm>>
    tpu.wait_indirect_dma semaphore(%arg20 : memref<!tpu.dma_semaphore, #tpu.memory_space<semaphore_mem>>) src(%dma_wait3A_261 : memref<100000xi32, #tpu.memory_space<hbm>>) dst(%dma_wait3A_256 : memref<16xi32, #tpu.memory_space<vmem>>)
    %dma_wait3A_262 = arith.constant 1 : i32
    %dma_wait3A_263 = arith.constant 1 : i32
    %dma_wait3A_264 = arith.constant 0 : i32
    %dma_wait3A_265 = tpu.memref_slice %arg16[%dma_wait3A_263, %dma_wait3A_264] : memref<8x16xi32, #tpu.memory_space<vmem>> -> memref<1x16xi32, #tpu.memory_space<vmem>>
    %dma_wait3A_266 = tpu.memref_squeeze %dma_wait3A_265 : memref<1x16xi32, #tpu.memory_space<vmem>> -> memref<16xi32, #tpu.memory_space<vmem>>
    %dma_wait3A_267 = arith.constant 0 : i32
    %dma_wait3A_268 = tpu.memref_slice %arg2[%dma_wait3A_262, %dma_wait3A_267] : memref<8x100000xi32, #tpu.memory_space<hbm>> -> memref<1x100000xi32, #tpu.memory_space<hbm>>
    %dma_wait3A_269 = tpu.memref_squeeze %dma_wait3A_268 : memref<1x100000xi32, #tpu.memory_space<hbm>> -> memref<100000xi32, #tpu.memory_space<hbm>>
    %dma_wait3A_270 = arith.constant 0 : i32
    %dma_wait3A_271 = tpu.memref_slice %dma_wait3A_269[%dma_wait3A_270] : memref<100000xi32, #tpu.memory_space<hbm>> -> memref<100000xi32, #tpu.memory_space<hbm>>
    tpu.wait_indirect_dma semaphore(%arg20 : memref<!tpu.dma_semaphore, #tpu.memory_space<semaphore_mem>>) src(%dma_wait3A_271 : memref<100000xi32, #tpu.memory_space<hbm>>) dst(%dma_wait3A_266 : memref<16xi32, #tpu.memory_space<vmem>>)
    %dma_wait3A_272 = arith.constant 2 : i32
    %dma_wait3A_273 = arith.constant 2 : i32
    %dma_wait3A_274 = arith.constant 0 : i32
    %dma_wait3A_275 = tpu.memref_slice %arg16[%dma_wait3A_273, %dma_wait3A_274] : memref<8x16xi32, #tpu.memory_space<vmem>> -> memref<1x16xi32, #tpu.memory_space<vmem>>
    %dma_wait3A_276 = tpu.memref_squeeze %dma_wait3A_275 : memref<1x16xi32, #tpu.memory_space<vmem>> -> memref<16xi32, #tpu.memory_space<vmem>>
    %dma_wait3A_277 = arith.constant 0 : i32
    %dma_wait3A_278 = tpu.memref_slice %arg2[%dma_wait3A_272, %dma_wait3A_277] : memref<8x100000xi32, #tpu.memory_space<hbm>> -> memref<1x100000xi32, #tpu.memory_space<hbm>>
    %dma_wait3A_279 = tpu.memref_squeeze %dma_wait3A_278 : memref<1x100000xi32, #tpu.memory_space<hbm>> -> memref<100000xi32, #tpu.memory_space<hbm>>
    %dma_wait3A_280 = arith.constant 0 : i32
    %dma_wait3A_281 = tpu.memref_slice %dma_wait3A_279[%dma_wait3A_280] : memref<100000xi32, #tpu.memory_space<hbm>> -> memref<100000xi32, #tpu.memory_space<hbm>>
    tpu.wait_indirect_dma semaphore(%arg20 : memref<!tpu.dma_semaphore, #tpu.memory_space<semaphore_mem>>) src(%dma_wait3A_281 : memref<100000xi32, #tpu.memory_space<hbm>>) dst(%dma_wait3A_276 : memref<16xi32, #tpu.memory_space<vmem>>)
    %dma_wait3A_282 = arith.constant 3 : i32
    %dma_wait3A_283 = arith.constant 3 : i32
    %dma_wait3A_284 = arith.constant 0 : i32
    %dma_wait3A_285 = tpu.memref_slice %arg16[%dma_wait3A_283, %dma_wait3A_284] : memref<8x16xi32, #tpu.memory_space<vmem>> -> memref<1x16xi32, #tpu.memory_space<vmem>>
    %dma_wait3A_286 = tpu.memref_squeeze %dma_wait3A_285 : memref<1x16xi32, #tpu.memory_space<vmem>> -> memref<16xi32, #tpu.memory_space<vmem>>
    %dma_wait3A_287 = arith.constant 0 : i32
    %dma_wait3A_288 = tpu.memref_slice %arg2[%dma_wait3A_282, %dma_wait3A_287] : memref<8x100000xi32, #tpu.memory_space<hbm>> -> memref<1x100000xi32, #tpu.memory_space<hbm>>
    %dma_wait3A_289 = tpu.memref_squeeze %dma_wait3A_288 : memref<1x100000xi32, #tpu.memory_space<hbm>> -> memref<100000xi32, #tpu.memory_space<hbm>>
    %dma_wait3A_290 = arith.constant 0 : i32
    %dma_wait3A_291 = tpu.memref_slice %dma_wait3A_289[%dma_wait3A_290] : memref<100000xi32, #tpu.memory_space<hbm>> -> memref<100000xi32, #tpu.memory_space<hbm>>
    tpu.wait_indirect_dma semaphore(%arg20 : memref<!tpu.dma_semaphore, #tpu.memory_space<semaphore_mem>>) src(%dma_wait3A_291 : memref<100000xi32, #tpu.memory_space<hbm>>) dst(%dma_wait3A_286 : memref<16xi32, #tpu.memory_space<vmem>>)
    %dma_wait3A_292 = arith.constant 4 : i32
    %dma_wait3A_293 = arith.constant 4 : i32
    %dma_wait3A_294 = arith.constant 0 : i32
    %dma_wait3A_295 = tpu.memref_slice %arg16[%dma_wait3A_293, %dma_wait3A_294] : memref<8x16xi32, #tpu.memory_space<vmem>> -> memref<1x16xi32, #tpu.memory_space<vmem>>
    %dma_wait3A_296 = tpu.memref_squeeze %dma_wait3A_295 : memref<1x16xi32, #tpu.memory_space<vmem>> -> memref<16xi32, #tpu.memory_space<vmem>>
    %dma_wait3A_297 = arith.constant 0 : i32
    %dma_wait3A_298 = tpu.memref_slice %arg2[%dma_wait3A_292, %dma_wait3A_297] : memref<8x100000xi32, #tpu.memory_space<hbm>> -> memref<1x100000xi32, #tpu.memory_space<hbm>>
    %dma_wait3A_299 = tpu.memref_squeeze %dma_wait3A_298 : memref<1x100000xi32, #tpu.memory_space<hbm>> -> memref<100000xi32, #tpu.memory_space<hbm>>
    %dma_wait3A_300 = arith.constant 0 : i32
    %dma_wait3A_301 = tpu.memref_slice %dma_wait3A_299[%dma_wait3A_300] : memref<100000xi32, #tpu.memory_space<hbm>> -> memref<100000xi32, #tpu.memory_space<hbm>>
    tpu.wait_indirect_dma semaphore(%arg20 : memref<!tpu.dma_semaphore, #tpu.memory_space<semaphore_mem>>) src(%dma_wait3A_301 : memref<100000xi32, #tpu.memory_space<hbm>>) dst(%dma_wait3A_296 : memref<16xi32, #tpu.memory_space<vmem>>)
    %dma_wait3A_302 = arith.constant 5 : i32
    %dma_wait3A_303 = arith.constant 5 : i32
    %dma_wait3A_304 = arith.constant 0 : i32
    %dma_wait3A_305 = tpu.memref_slice %arg16[%dma_wait3A_303, %dma_wait3A_304] : memref<8x16xi32, #tpu.memory_space<vmem>> -> memref<1x16xi32, #tpu.memory_space<vmem>>
    %dma_wait3A_306 = tpu.memref_squeeze %dma_wait3A_305 : memref<1x16xi32, #tpu.memory_space<vmem>> -> memref<16xi32, #tpu.memory_space<vmem>>
    %dma_wait3A_307 = arith.constant 0 : i32
    %dma_wait3A_308 = tpu.memref_slice %arg2[%dma_wait3A_302, %dma_wait3A_307] : memref<8x100000xi32, #tpu.memory_space<hbm>> -> memref<1x100000xi32, #tpu.memory_space<hbm>>
    %dma_wait3A_309 = tpu.memref_squeeze %dma_wait3A_308 : memref<1x100000xi32, #tpu.memory_space<hbm>> -> memref<100000xi32, #tpu.memory_space<hbm>>
    %dma_wait3A_310 = arith.constant 0 : i32
    %dma_wait3A_311 = tpu.memref_slice %dma_wait3A_309[%dma_wait3A_310] : memref<100000xi32, #tpu.memory_space<hbm>> -> memref<100000xi32, #tpu.memory_space<hbm>>
    tpu.wait_indirect_dma semaphore(%arg20 : memref<!tpu.dma_semaphore, #tpu.memory_space<semaphore_mem>>) src(%dma_wait3A_311 : memref<100000xi32, #tpu.memory_space<hbm>>) dst(%dma_wait3A_306 : memref<16xi32, #tpu.memory_space<vmem>>)
    %dma_wait3A_312 = arith.constant 6 : i32
    %dma_wait3A_313 = arith.constant 6 : i32
    %dma_wait3A_314 = arith.constant 0 : i32
    %dma_wait3A_315 = tpu.memref_slice %arg16[%dma_wait3A_313, %dma_wait3A_314] : memref<8x16xi32, #tpu.memory_space<vmem>> -> memref<1x16xi32, #tpu.memory_space<vmem>>
    %dma_wait3A_316 = tpu.memref_squeeze %dma_wait3A_315 : memref<1x16xi32, #tpu.memory_space<vmem>> -> memref<16xi32, #tpu.memory_space<vmem>>
    %dma_wait3A_317 = arith.constant 0 : i32
    %dma_wait3A_318 = tpu.memref_slice %arg2[%dma_wait3A_312, %dma_wait3A_317] : memref<8x100000xi32, #tpu.memory_space<hbm>> -> memref<1x100000xi32, #tpu.memory_space<hbm>>
    %dma_wait3A_319 = tpu.memref_squeeze %dma_wait3A_318 : memref<1x100000xi32, #tpu.memory_space<hbm>> -> memref<100000xi32, #tpu.memory_space<hbm>>
    %dma_wait3A_320 = arith.constant 0 : i32
    %dma_wait3A_321 = tpu.memref_slice %dma_wait3A_319[%dma_wait3A_320] : memref<100000xi32, #tpu.memory_space<hbm>> -> memref<100000xi32, #tpu.memory_space<hbm>>
    tpu.wait_indirect_dma semaphore(%arg20 : memref<!tpu.dma_semaphore, #tpu.memory_space<semaphore_mem>>) src(%dma_wait3A_321 : memref<100000xi32, #tpu.memory_space<hbm>>) dst(%dma_wait3A_316 : memref<16xi32, #tpu.memory_space<vmem>>)
    %dma_wait3A_322 = arith.constant 7 : i32
    %dma_wait3A_323 = arith.constant 7 : i32
    %dma_wait3A_324 = arith.constant 0 : i32
    %dma_wait3A_325 = tpu.memref_slice %arg16[%dma_wait3A_323, %dma_wait3A_324] : memref<8x16xi32, #tpu.memory_space<vmem>> -> memref<1x16xi32, #tpu.memory_space<vmem>>
    %dma_wait3A_326 = tpu.memref_squeeze %dma_wait3A_325 : memref<1x16xi32, #tpu.memory_space<vmem>> -> memref<16xi32, #tpu.memory_space<vmem>>
    %dma_wait3A_327 = arith.constant 0 : i32
    %dma_wait3A_328 = tpu.memref_slice %arg2[%dma_wait3A_322, %dma_wait3A_327] : memref<8x100000xi32, #tpu.memory_space<hbm>> -> memref<1x100000xi32, #tpu.memory_space<hbm>>
    %dma_wait3A_329 = tpu.memref_squeeze %dma_wait3A_328 : memref<1x100000xi32, #tpu.memory_space<hbm>> -> memref<100000xi32, #tpu.memory_space<hbm>>
    %dma_wait3A_330 = arith.constant 0 : i32
    %dma_wait3A_331 = tpu.memref_slice %dma_wait3A_329[%dma_wait3A_330] : memref<100000xi32, #tpu.memory_space<hbm>> -> memref<100000xi32, #tpu.memory_space<hbm>>
    tpu.wait_indirect_dma semaphore(%arg20 : memref<!tpu.dma_semaphore, #tpu.memory_space<semaphore_mem>>) src(%dma_wait3A_331 : memref<100000xi32, #tpu.memory_space<hbm>>) dst(%dma_wait3A_326 : memref<16xi32, #tpu.memory_space<vmem>>)
    "tpu.region"() ({
      %run_scoped3A = tpu.sem_alloc : memref<!tpu.dma_semaphore, #tpu.memory_space<semaphore_mem>>
      %dma_start3A_337 = arith.constant 0 : i32
      %dma_start3A_338 = tpu.memref_slice %arg9[%dma_start3A_337, %mul3A_4] : memref<8x512xi32, #tpu.memory_space<hbm>> -> memref<8x16xi32, #tpu.memory_space<hbm>>
      %dma_start3A_339 = arith.constant 0 : i32
      %dma_start3A_340 = tpu.memref_slice %arg9[%dma_start3A_339, %mul3A_4] : memref<8x512xi32, #tpu.memory_space<hbm>> -> memref<8x16xi32, #tpu.memory_space<hbm>>
      tpu.enqueue_dma source(%arg16 : memref<8x16xi32, #tpu.memory_space<vmem>>) target(%dma_start3A_340 : memref<8x16xi32, #tpu.memory_space<hbm>>) target_semaphore(%run_scoped3A : memref<!tpu.dma_semaphore, #tpu.memory_space<semaphore_mem>>)
      %dma_wait3A_341 = arith.constant 0 : i32
      %dma_wait3A_342 = tpu.memref_slice %arg9[%dma_wait3A_341, %mul3A_4] : memref<8x512xi32, #tpu.memory_space<hbm>> -> memref<8x16xi32, #tpu.memory_space<hbm>>
      %dma_wait3A_343 = arith.constant 0 : i32
      %dma_wait3A_344 = tpu.memref_slice %arg9[%dma_wait3A_343, %mul3A_4] : memref<8x512xi32, #tpu.memory_space<hbm>> -> memref<8x16xi32, #tpu.memory_space<hbm>>
      tpu.wait_dma2 semaphore(%run_scoped3A : memref<!tpu.dma_semaphore, #tpu.memory_space<semaphore_mem>>) src(%arg16 : memref<8x16xi32, #tpu.memory_space<vmem>>) dst(%dma_wait3A_344 : memref<8x16xi32, #tpu.memory_space<hbm>>)
      tpu.yield
    }) : () -> ()
    %dma_wait3A_332 = arith.constant 0 : i32
    %dma_wait3A_333 = arith.constant 0 : i32
    %dma_wait3A_334 = tpu.memref_slice %arg6[%dma_wait3A_332, %dma_wait3A_333] : memref<16384x128xf32, #tpu.memory_space<hbm>> -> memref<16384x128xf32, #tpu.memory_space<hbm>>
    tpu.wait_indirect_dma semaphore(%arg21 : memref<!tpu.dma_semaphore, #tpu.memory_space<semaphore_mem>>) src(%dma_wait3A_334 : memref<16384x128xf32, #tpu.memory_space<hbm>>) dst(%arg17 : memref<16x128xf32, #tpu.memory_space<vmem>>)
    "tpu.region"() ({
      %run_scoped3A = tpu.sem_alloc : memref<!tpu.dma_semaphore, #tpu.memory_space<semaphore_mem>>
      %dma_start3A_337 = arith.constant 0 : i32
      %dma_start3A_338 = tpu.memref_slice %arg10[%mul3A_4, %dma_start3A_337] : memref<512x128xf32, #tpu.memory_space<hbm>> -> memref<16x128xf32, #tpu.memory_space<hbm>>
      %dma_start3A_339 = arith.constant 0 : i32
      %dma_start3A_340 = tpu.memref_slice %arg10[%mul3A_4, %dma_start3A_339] : memref<512x128xf32, #tpu.memory_space<hbm>> -> memref<16x128xf32, #tpu.memory_space<hbm>>
      tpu.enqueue_dma source(%arg17 : memref<16x128xf32, #tpu.memory_space<vmem>>) target(%dma_start3A_340 : memref<16x128xf32, #tpu.memory_space<hbm>>) target_semaphore(%run_scoped3A : memref<!tpu.dma_semaphore, #tpu.memory_space<semaphore_mem>>)
      %dma_wait3A_341 = arith.constant 0 : i32
      %dma_wait3A_342 = tpu.memref_slice %arg10[%mul3A_4, %dma_wait3A_341] : memref<512x128xf32, #tpu.memory_space<hbm>> -> memref<16x128xf32, #tpu.memory_space<hbm>>
      %dma_wait3A_343 = arith.constant 0 : i32
      %dma_wait3A_344 = tpu.memref_slice %arg10[%mul3A_4, %dma_wait3A_343] : memref<512x128xf32, #tpu.memory_space<hbm>> -> memref<16x128xf32, #tpu.memory_space<hbm>>
      tpu.wait_dma2 semaphore(%run_scoped3A : memref<!tpu.dma_semaphore, #tpu.memory_space<semaphore_mem>>) src(%arg17 : memref<16x128xf32, #tpu.memory_space<vmem>>) dst(%dma_wait3A_344 : memref<16x128xf32, #tpu.memory_space<hbm>>)
      tpu.yield
    }) : () -> ()
    %dma_wait3A_335 = arith.constant 0 : i32
    %dma_wait3A_336 = tpu.memref_slice %arg7[%dma_wait3A_335] : memref<16384xf32, #tpu.memory_space<hbm>> -> memref<16384xf32, #tpu.memory_space<hbm>>
    tpu.wait_indirect_dma semaphore(%arg22 : memref<!tpu.dma_semaphore, #tpu.memory_space<semaphore_mem>>) src(%dma_wait3A_336 : memref<16384xf32, #tpu.memory_space<hbm>>) dst(%arg18 : memref<16xf32, #tpu.memory_space<vmem>>)
    "tpu.region"() ({
      %run_scoped3A = tpu.sem_alloc : memref<!tpu.dma_semaphore, #tpu.memory_space<semaphore_mem>>
      %dma_start3A_337 = tpu.memref_slice %arg11[%mul3A_4] : memref<512xf32, #tpu.memory_space<hbm>> -> memref<16xf32, #tpu.memory_space<hbm>>
      %dma_start3A_338 = tpu.memref_slice %arg11[%mul3A_4] : memref<512xf32, #tpu.memory_space<hbm>> -> memref<16xf32, #tpu.memory_space<hbm>>
      tpu.enqueue_dma source(%arg18 : memref<16xf32, #tpu.memory_space<vmem>>) target(%dma_start3A_338 : memref<16xf32, #tpu.memory_space<hbm>>) target_semaphore(%run_scoped3A : memref<!tpu.dma_semaphore, #tpu.memory_space<semaphore_mem>>)
      %dma_wait3A_339 = tpu.memref_slice %arg11[%mul3A_4] : memref<512xf32, #tpu.memory_space<hbm>> -> memref<16xf32, #tpu.memory_space<hbm>>
      %dma_wait3A_340 = tpu.memref_slice %arg11[%mul3A_4] : memref<512xf32, #tpu.memory_space<hbm>> -> memref<16xf32, #tpu.memory_space<hbm>>
      tpu.wait_dma2 semaphore(%run_scoped3A : memref<!tpu.dma_semaphore, #tpu.memory_space<semaphore_mem>>) src(%arg18 : memref<16xf32, #tpu.memory_space<vmem>>) dst(%dma_wait3A_340 : memref<16xf32, #tpu.memory_space<hbm>>)
      tpu.yield
    }) : () -> ()
    return
  }
}

module attributes {stable_mosaic.version = 14 : i64} {
  func.func @_tc_body(%arg0: i32, %arg1: memref<512x128xf32, #tpu.memory_space<vmem>>, %arg2: memref<512x128xf32, #tpu.memory_space<vmem>>, %arg3: memref<8x512xi32, #tpu.memory_space<vmem>>, %arg4: memref<512x8xi32, #tpu.memory_space<vmem>>, %arg5: memref<1x512xf32, #tpu.memory_space<vmem>>, %arg6: memref<1x1x512xf32, #tpu.memory_space<vmem>>, %arg7: memref<1x1x512xf32, #tpu.memory_space<vmem>>) attributes {dimension_semantics = [#tpu.dimension_semantics<arbitrary>], iteration_bounds = array<i64: 8>, scalar_prefetch = 0 : i64, scratch_operands = 0 : i64, tpu.core_type = #tpu.core_type<tc>, window_params = [{transform_indices = @transform_0, window_bounds = array<i64: 512, 128>}, {pipeline_mode = #tpu.pipeline_mode<synchronous>, transform_indices = @transform_1, window_bounds = array<i64: 512, 128>}, {transform_indices = @transform_2, window_bounds = array<i64: 8, 512>}, {pipeline_mode = #tpu.pipeline_mode<synchronous>, transform_indices = @transform_3, window_bounds = array<i64: 512, 8>}, {pipeline_mode = #tpu.pipeline_mode<synchronous>, transform_indices = @transform_4, window_bounds = array<i64: 1, 512>}, {transform_indices = @transform_5, window_bounds = array<i64: 1, 1, 512>}, {transform_indices = @transform_6, window_bounds = array<i64: 1, 1, 512>}]} {
    %get3A = arith.constant 0 : index
    %get3A_0 = arith.constant 0 : index
    %get3A_1 = vector.load %arg1[%get3A, %get3A_0] : memref<512x128xf32, #tpu.memory_space<vmem>>, vector<512x128xf32>
    %mul3A = arith.mulf %get3A_1, %get3A_1 : vector<512x128xf32>
    %reduce_sum3A = arith.constant dense<0.000000e+00> : vector<512xf32>
    %reduce_sum3A_2 = vector.multi_reduction <add>, %mul3A, %reduce_sum3A [1] : vector<512x128xf32> to vector<512xf32>
    %broadcast_in_dim3A = vector.shape_cast %reduce_sum3A_2 : vector<512xf32> to vector<512x1xf32>
    %rsqrt3A = math.rsqrt %broadcast_in_dim3A : vector<512x1xf32>
    %mul3A_3 = vector.broadcast %rsqrt3A : vector<512x1xf32> to vector<512x128xf32>
    %mul3A_4 = arith.mulf %get3A_1, %mul3A_3 : vector<512x128xf32>
    %get3A_5 = arith.constant 0 : index
    %get3A_6 = arith.constant 0 : index
    %get3A_7 = vector.load %arg2[%get3A_5, %get3A_6] : memref<512x128xf32, #tpu.memory_space<vmem>>, vector<512x128xf32>
    %mul3A_8 = arith.mulf %get3A_7, %get3A_7 : vector<512x128xf32>
    %reduce_sum3A_9 = arith.constant dense<0.000000e+00> : vector<512xf32>
    %reduce_sum3A_10 = vector.multi_reduction <add>, %mul3A_8, %reduce_sum3A_9 [1] : vector<512x128xf32> to vector<512xf32>
    %broadcast_in_dim3A_11 = vector.shape_cast %reduce_sum3A_10 : vector<512xf32> to vector<512x1xf32>
    %rsqrt3A_12 = math.rsqrt %broadcast_in_dim3A_11 : vector<512x1xf32>
    %mul3A_13 = vector.broadcast %rsqrt3A_12 : vector<512x1xf32> to vector<512x128xf32>
    %mul3A_14 = arith.mulf %get3A_7, %mul3A_13 : vector<512x128xf32>
    %dot_general3A = arith.constant dense<0.000000e+00> : vector<512x512xf32>
    %dot_general3A_15 = tpu.matmul %mul3A_14, %mul3A_4, %dot_general3A {dimension_numbers = #tpu.dot_dimension_numbers<[1], [1], [0], [0], [0, 0, 1, 0], [], []>, transpose_lhs_hint = false} : vector<512x128xf32>, vector<512x128xf32>, vector<512x512xf32> -> vector<512x512xf32>
    %get3A_16 = arith.constant 0 : index
    %get3A_17 = arith.constant 0 : index
    %get3A_18 = vector.load %arg3[%get3A_16, %get3A_17] : memref<8x512xi32, #tpu.memory_space<vmem>>, vector<8x512xi32>
    %get3A_19 = arith.constant 0 : index
    %get3A_20 = arith.constant 0 : index
    %get3A_21 = vector.load %arg4[%get3A_19, %get3A_20] : memref<512x8xi32, #tpu.memory_space<vmem>>, vector<512x8xi32>
    %shift_right_arithmetic3A = arith.constant 31 : i32
    %shift_right_arithmetic3A_22 = vector.broadcast %shift_right_arithmetic3A : i32 to vector<8x512xi32>
    %shift_right_arithmetic3A_23 = arith.shrsi %get3A_18, %shift_right_arithmetic3A_22 : vector<8x512xi32>
    %shift_right_arithmetic3A_24 = arith.constant 31 : i32
    %shift_right_arithmetic3A_25 = vector.broadcast %shift_right_arithmetic3A_24 : i32 to vector<512x8xi32>
    %shift_right_arithmetic3A_26 = arith.shrsi %get3A_21, %shift_right_arithmetic3A_25 : vector<512x8xi32>
    %abs3A = math.absi %get3A_18 : vector<8x512xi32>
    %abs3A_27 = math.absi %get3A_21 : vector<512x8xi32>
    %broadcast_in_dim3A_28 = arith.constant 0 : i32
    %broadcast_in_dim3A_29 = vector.broadcast %broadcast_in_dim3A_28 : i32 to vector<512x512xi32>
    %broadcast_in_dim3A_30 = arith.constant 0 : i32
    %broadcast_in_dim3A_31 = vector.broadcast %broadcast_in_dim3A_30 : i32 to vector<512x512xi32>
    %slice3A = vector.extract_strided_slice %shift_right_arithmetic3A_23 {offsets = [0, 0], sizes = [1, 512], strides = [1, 1]} : vector<8x512xi32> to vector<1x512xi32>
    %slice3A_32 = vector.extract_strided_slice %shift_right_arithmetic3A_26 {offsets = [0, 0], sizes = [512, 1], strides = [1, 1]} : vector<512x8xi32> to vector<512x1xi32>
    %xor3A = vector.broadcast %slice3A : vector<1x512xi32> to vector<512x512xi32>
    %xor3A_33 = vector.broadcast %slice3A_32 : vector<512x1xi32> to vector<512x512xi32>
    %xor3A_34 = arith.xori %xor3A, %xor3A_33 : vector<512x512xi32>
    %slice3A_35 = vector.extract_strided_slice %abs3A {offsets = [0, 0], sizes = [1, 512], strides = [1, 1]} : vector<8x512xi32> to vector<1x512xi32>
    %slice3A_36 = vector.extract_strided_slice %abs3A_27 {offsets = [0, 0], sizes = [512, 1], strides = [1, 1]} : vector<512x8xi32> to vector<512x1xi32>
    %xor3A_37 = vector.broadcast %slice3A_35 : vector<1x512xi32> to vector<512x512xi32>
    %xor3A_38 = vector.broadcast %slice3A_36 : vector<512x1xi32> to vector<512x512xi32>
    %xor3A_39 = arith.xori %xor3A_37, %xor3A_38 : vector<512x512xi32>
    %add3A = arith.constant 1 : i32
    %add3A_40 = vector.broadcast %add3A : i32 to vector<512x512xi32>
    %add3A_41 = arith.addi %xor3A_39, %add3A_40 : vector<512x512xi32>
    %convert_element_type3A = arith.sitofp %add3A_41 : vector<512x512xi32> to vector<512x512xf32>
    %bitcast_convert_type3A = tpu.bitcast %convert_element_type3A : vector<512x512xf32> -> vector<512x512xi32>
    %shift_right_logical3A = arith.constant 23 : i32
    %shift_right_logical3A_42 = vector.broadcast %shift_right_logical3A : i32 to vector<512x512xi32>
    %shift_right_logical3A_43 = arith.shrui %bitcast_convert_type3A, %shift_right_logical3A_42 : vector<512x512xi32>
    %add3A_44 = arith.addi %broadcast_in_dim3A_29, %xor3A_34 : vector<512x512xi32>
    %xor3A_45 = arith.xori %shift_right_logical3A_43, %xor3A_34 : vector<512x512xi32>
    %add3A_46 = arith.addi %broadcast_in_dim3A_31, %xor3A_45 : vector<512x512xi32>
    %slice3A_47 = vector.extract_strided_slice %shift_right_arithmetic3A_23 {offsets = [1, 0], sizes = [1, 512], strides = [1, 1]} : vector<8x512xi32> to vector<1x512xi32>
    %slice3A_48 = vector.extract_strided_slice %shift_right_arithmetic3A_26 {offsets = [0, 1], sizes = [512, 1], strides = [1, 1]} : vector<512x8xi32> to vector<512x1xi32>
    %xor3A_49 = vector.broadcast %slice3A_47 : vector<1x512xi32> to vector<512x512xi32>
    %xor3A_50 = vector.broadcast %slice3A_48 : vector<512x1xi32> to vector<512x512xi32>
    %xor3A_51 = arith.xori %xor3A_49, %xor3A_50 : vector<512x512xi32>
    %slice3A_52 = vector.extract_strided_slice %abs3A {offsets = [1, 0], sizes = [1, 512], strides = [1, 1]} : vector<8x512xi32> to vector<1x512xi32>
    %slice3A_53 = vector.extract_strided_slice %abs3A_27 {offsets = [0, 1], sizes = [512, 1], strides = [1, 1]} : vector<512x8xi32> to vector<512x1xi32>
    %xor3A_54 = vector.broadcast %slice3A_52 : vector<1x512xi32> to vector<512x512xi32>
    %xor3A_55 = vector.broadcast %slice3A_53 : vector<512x1xi32> to vector<512x512xi32>
    %xor3A_56 = arith.xori %xor3A_54, %xor3A_55 : vector<512x512xi32>
    %add3A_57 = arith.constant 1 : i32
    %add3A_58 = vector.broadcast %add3A_57 : i32 to vector<512x512xi32>
    %add3A_59 = arith.addi %xor3A_56, %add3A_58 : vector<512x512xi32>
    %convert_element_type3A_60 = arith.sitofp %add3A_59 : vector<512x512xi32> to vector<512x512xf32>
    %bitcast_convert_type3A_61 = tpu.bitcast %convert_element_type3A_60 : vector<512x512xf32> -> vector<512x512xi32>
    %shift_right_logical3A_62 = arith.constant 23 : i32
    %shift_right_logical3A_63 = vector.broadcast %shift_right_logical3A_62 : i32 to vector<512x512xi32>
    %shift_right_logical3A_64 = arith.shrui %bitcast_convert_type3A_61, %shift_right_logical3A_63 : vector<512x512xi32>
    %add3A_65 = arith.addi %add3A_44, %xor3A_51 : vector<512x512xi32>
    %xor3A_66 = arith.xori %shift_right_logical3A_64, %xor3A_51 : vector<512x512xi32>
    %add3A_67 = arith.addi %add3A_46, %xor3A_66 : vector<512x512xi32>
    %slice3A_68 = vector.extract_strided_slice %shift_right_arithmetic3A_23 {offsets = [2, 0], sizes = [1, 512], strides = [1, 1]} : vector<8x512xi32> to vector<1x512xi32>
    %slice3A_69 = vector.extract_strided_slice %shift_right_arithmetic3A_26 {offsets = [0, 2], sizes = [512, 1], strides = [1, 1]} : vector<512x8xi32> to vector<512x1xi32>
    %xor3A_70 = vector.broadcast %slice3A_68 : vector<1x512xi32> to vector<512x512xi32>
    %xor3A_71 = vector.broadcast %slice3A_69 : vector<512x1xi32> to vector<512x512xi32>
    %xor3A_72 = arith.xori %xor3A_70, %xor3A_71 : vector<512x512xi32>
    %slice3A_73 = vector.extract_strided_slice %abs3A {offsets = [2, 0], sizes = [1, 512], strides = [1, 1]} : vector<8x512xi32> to vector<1x512xi32>
    %slice3A_74 = vector.extract_strided_slice %abs3A_27 {offsets = [0, 2], sizes = [512, 1], strides = [1, 1]} : vector<512x8xi32> to vector<512x1xi32>
    %xor3A_75 = vector.broadcast %slice3A_73 : vector<1x512xi32> to vector<512x512xi32>
    %xor3A_76 = vector.broadcast %slice3A_74 : vector<512x1xi32> to vector<512x512xi32>
    %xor3A_77 = arith.xori %xor3A_75, %xor3A_76 : vector<512x512xi32>
    %add3A_78 = arith.constant 1 : i32
    %add3A_79 = vector.broadcast %add3A_78 : i32 to vector<512x512xi32>
    %add3A_80 = arith.addi %xor3A_77, %add3A_79 : vector<512x512xi32>
    %convert_element_type3A_81 = arith.sitofp %add3A_80 : vector<512x512xi32> to vector<512x512xf32>
    %bitcast_convert_type3A_82 = tpu.bitcast %convert_element_type3A_81 : vector<512x512xf32> -> vector<512x512xi32>
    %shift_right_logical3A_83 = arith.constant 23 : i32
    %shift_right_logical3A_84 = vector.broadcast %shift_right_logical3A_83 : i32 to vector<512x512xi32>
    %shift_right_logical3A_85 = arith.shrui %bitcast_convert_type3A_82, %shift_right_logical3A_84 : vector<512x512xi32>
    %add3A_86 = arith.addi %add3A_65, %xor3A_72 : vector<512x512xi32>
    %xor3A_87 = arith.xori %shift_right_logical3A_85, %xor3A_72 : vector<512x512xi32>
    %add3A_88 = arith.addi %add3A_67, %xor3A_87 : vector<512x512xi32>
    %slice3A_89 = vector.extract_strided_slice %shift_right_arithmetic3A_23 {offsets = [3, 0], sizes = [1, 512], strides = [1, 1]} : vector<8x512xi32> to vector<1x512xi32>
    %slice3A_90 = vector.extract_strided_slice %shift_right_arithmetic3A_26 {offsets = [0, 3], sizes = [512, 1], strides = [1, 1]} : vector<512x8xi32> to vector<512x1xi32>
    %xor3A_91 = vector.broadcast %slice3A_89 : vector<1x512xi32> to vector<512x512xi32>
    %xor3A_92 = vector.broadcast %slice3A_90 : vector<512x1xi32> to vector<512x512xi32>
    %xor3A_93 = arith.xori %xor3A_91, %xor3A_92 : vector<512x512xi32>
    %slice3A_94 = vector.extract_strided_slice %abs3A {offsets = [3, 0], sizes = [1, 512], strides = [1, 1]} : vector<8x512xi32> to vector<1x512xi32>
    %slice3A_95 = vector.extract_strided_slice %abs3A_27 {offsets = [0, 3], sizes = [512, 1], strides = [1, 1]} : vector<512x8xi32> to vector<512x1xi32>
    %xor3A_96 = vector.broadcast %slice3A_94 : vector<1x512xi32> to vector<512x512xi32>
    %xor3A_97 = vector.broadcast %slice3A_95 : vector<512x1xi32> to vector<512x512xi32>
    %xor3A_98 = arith.xori %xor3A_96, %xor3A_97 : vector<512x512xi32>
    %add3A_99 = arith.constant 1 : i32
    %add3A_100 = vector.broadcast %add3A_99 : i32 to vector<512x512xi32>
    %add3A_101 = arith.addi %xor3A_98, %add3A_100 : vector<512x512xi32>
    %convert_element_type3A_102 = arith.sitofp %add3A_101 : vector<512x512xi32> to vector<512x512xf32>
    %bitcast_convert_type3A_103 = tpu.bitcast %convert_element_type3A_102 : vector<512x512xf32> -> vector<512x512xi32>
    %shift_right_logical3A_104 = arith.constant 23 : i32
    %shift_right_logical3A_105 = vector.broadcast %shift_right_logical3A_104 : i32 to vector<512x512xi32>
    %shift_right_logical3A_106 = arith.shrui %bitcast_convert_type3A_103, %shift_right_logical3A_105 : vector<512x512xi32>
    %add3A_107 = arith.addi %add3A_86, %xor3A_93 : vector<512x512xi32>
    %xor3A_108 = arith.xori %shift_right_logical3A_106, %xor3A_93 : vector<512x512xi32>
    %add3A_109 = arith.addi %add3A_88, %xor3A_108 : vector<512x512xi32>
    %slice3A_110 = vector.extract_strided_slice %shift_right_arithmetic3A_23 {offsets = [4, 0], sizes = [1, 512], strides = [1, 1]} : vector<8x512xi32> to vector<1x512xi32>
    %slice3A_111 = vector.extract_strided_slice %shift_right_arithmetic3A_26 {offsets = [0, 4], sizes = [512, 1], strides = [1, 1]} : vector<512x8xi32> to vector<512x1xi32>
    %xor3A_112 = vector.broadcast %slice3A_110 : vector<1x512xi32> to vector<512x512xi32>
    %xor3A_113 = vector.broadcast %slice3A_111 : vector<512x1xi32> to vector<512x512xi32>
    %xor3A_114 = arith.xori %xor3A_112, %xor3A_113 : vector<512x512xi32>
    %slice3A_115 = vector.extract_strided_slice %abs3A {offsets = [4, 0], sizes = [1, 512], strides = [1, 1]} : vector<8x512xi32> to vector<1x512xi32>
    %slice3A_116 = vector.extract_strided_slice %abs3A_27 {offsets = [0, 4], sizes = [512, 1], strides = [1, 1]} : vector<512x8xi32> to vector<512x1xi32>
    %xor3A_117 = vector.broadcast %slice3A_115 : vector<1x512xi32> to vector<512x512xi32>
    %xor3A_118 = vector.broadcast %slice3A_116 : vector<512x1xi32> to vector<512x512xi32>
    %xor3A_119 = arith.xori %xor3A_117, %xor3A_118 : vector<512x512xi32>
    %add3A_120 = arith.constant 1 : i32
    %add3A_121 = vector.broadcast %add3A_120 : i32 to vector<512x512xi32>
    %add3A_122 = arith.addi %xor3A_119, %add3A_121 : vector<512x512xi32>
    %convert_element_type3A_123 = arith.sitofp %add3A_122 : vector<512x512xi32> to vector<512x512xf32>
    %bitcast_convert_type3A_124 = tpu.bitcast %convert_element_type3A_123 : vector<512x512xf32> -> vector<512x512xi32>
    %shift_right_logical3A_125 = arith.constant 23 : i32
    %shift_right_logical3A_126 = vector.broadcast %shift_right_logical3A_125 : i32 to vector<512x512xi32>
    %shift_right_logical3A_127 = arith.shrui %bitcast_convert_type3A_124, %shift_right_logical3A_126 : vector<512x512xi32>
    %add3A_128 = arith.addi %add3A_107, %xor3A_114 : vector<512x512xi32>
    %xor3A_129 = arith.xori %shift_right_logical3A_127, %xor3A_114 : vector<512x512xi32>
    %add3A_130 = arith.addi %add3A_109, %xor3A_129 : vector<512x512xi32>
    %slice3A_131 = vector.extract_strided_slice %shift_right_arithmetic3A_23 {offsets = [5, 0], sizes = [1, 512], strides = [1, 1]} : vector<8x512xi32> to vector<1x512xi32>
    %slice3A_132 = vector.extract_strided_slice %shift_right_arithmetic3A_26 {offsets = [0, 5], sizes = [512, 1], strides = [1, 1]} : vector<512x8xi32> to vector<512x1xi32>
    %xor3A_133 = vector.broadcast %slice3A_131 : vector<1x512xi32> to vector<512x512xi32>
    %xor3A_134 = vector.broadcast %slice3A_132 : vector<512x1xi32> to vector<512x512xi32>
    %xor3A_135 = arith.xori %xor3A_133, %xor3A_134 : vector<512x512xi32>
    %slice3A_136 = vector.extract_strided_slice %abs3A {offsets = [5, 0], sizes = [1, 512], strides = [1, 1]} : vector<8x512xi32> to vector<1x512xi32>
    %slice3A_137 = vector.extract_strided_slice %abs3A_27 {offsets = [0, 5], sizes = [512, 1], strides = [1, 1]} : vector<512x8xi32> to vector<512x1xi32>
    %xor3A_138 = vector.broadcast %slice3A_136 : vector<1x512xi32> to vector<512x512xi32>
    %xor3A_139 = vector.broadcast %slice3A_137 : vector<512x1xi32> to vector<512x512xi32>
    %xor3A_140 = arith.xori %xor3A_138, %xor3A_139 : vector<512x512xi32>
    %add3A_141 = arith.constant 1 : i32
    %add3A_142 = vector.broadcast %add3A_141 : i32 to vector<512x512xi32>
    %add3A_143 = arith.addi %xor3A_140, %add3A_142 : vector<512x512xi32>
    %convert_element_type3A_144 = arith.sitofp %add3A_143 : vector<512x512xi32> to vector<512x512xf32>
    %bitcast_convert_type3A_145 = tpu.bitcast %convert_element_type3A_144 : vector<512x512xf32> -> vector<512x512xi32>
    %shift_right_logical3A_146 = arith.constant 23 : i32
    %shift_right_logical3A_147 = vector.broadcast %shift_right_logical3A_146 : i32 to vector<512x512xi32>
    %shift_right_logical3A_148 = arith.shrui %bitcast_convert_type3A_145, %shift_right_logical3A_147 : vector<512x512xi32>
    %add3A_149 = arith.addi %add3A_128, %xor3A_135 : vector<512x512xi32>
    %xor3A_150 = arith.xori %shift_right_logical3A_148, %xor3A_135 : vector<512x512xi32>
    %add3A_151 = arith.addi %add3A_130, %xor3A_150 : vector<512x512xi32>
    %slice3A_152 = vector.extract_strided_slice %shift_right_arithmetic3A_23 {offsets = [6, 0], sizes = [1, 512], strides = [1, 1]} : vector<8x512xi32> to vector<1x512xi32>
    %slice3A_153 = vector.extract_strided_slice %shift_right_arithmetic3A_26 {offsets = [0, 6], sizes = [512, 1], strides = [1, 1]} : vector<512x8xi32> to vector<512x1xi32>
    %xor3A_154 = vector.broadcast %slice3A_152 : vector<1x512xi32> to vector<512x512xi32>
    %xor3A_155 = vector.broadcast %slice3A_153 : vector<512x1xi32> to vector<512x512xi32>
    %xor3A_156 = arith.xori %xor3A_154, %xor3A_155 : vector<512x512xi32>
    %slice3A_157 = vector.extract_strided_slice %abs3A {offsets = [6, 0], sizes = [1, 512], strides = [1, 1]} : vector<8x512xi32> to vector<1x512xi32>
    %slice3A_158 = vector.extract_strided_slice %abs3A_27 {offsets = [0, 6], sizes = [512, 1], strides = [1, 1]} : vector<512x8xi32> to vector<512x1xi32>
    %xor3A_159 = vector.broadcast %slice3A_157 : vector<1x512xi32> to vector<512x512xi32>
    %xor3A_160 = vector.broadcast %slice3A_158 : vector<512x1xi32> to vector<512x512xi32>
    %xor3A_161 = arith.xori %xor3A_159, %xor3A_160 : vector<512x512xi32>
    %add3A_162 = arith.constant 1 : i32
    %add3A_163 = vector.broadcast %add3A_162 : i32 to vector<512x512xi32>
    %add3A_164 = arith.addi %xor3A_161, %add3A_163 : vector<512x512xi32>
    %convert_element_type3A_165 = arith.sitofp %add3A_164 : vector<512x512xi32> to vector<512x512xf32>
    %bitcast_convert_type3A_166 = tpu.bitcast %convert_element_type3A_165 : vector<512x512xf32> -> vector<512x512xi32>
    %shift_right_logical3A_167 = arith.constant 23 : i32
    %shift_right_logical3A_168 = vector.broadcast %shift_right_logical3A_167 : i32 to vector<512x512xi32>
    %shift_right_logical3A_169 = arith.shrui %bitcast_convert_type3A_166, %shift_right_logical3A_168 : vector<512x512xi32>
    %add3A_170 = arith.addi %add3A_149, %xor3A_156 : vector<512x512xi32>
    %xor3A_171 = arith.xori %shift_right_logical3A_169, %xor3A_156 : vector<512x512xi32>
    %add3A_172 = arith.addi %add3A_151, %xor3A_171 : vector<512x512xi32>
    %slice3A_173 = vector.extract_strided_slice %shift_right_arithmetic3A_23 {offsets = [7, 0], sizes = [1, 512], strides = [1, 1]} : vector<8x512xi32> to vector<1x512xi32>
    %slice3A_174 = vector.extract_strided_slice %shift_right_arithmetic3A_26 {offsets = [0, 7], sizes = [512, 1], strides = [1, 1]} : vector<512x8xi32> to vector<512x1xi32>
    %xor3A_175 = vector.broadcast %slice3A_173 : vector<1x512xi32> to vector<512x512xi32>
    %xor3A_176 = vector.broadcast %slice3A_174 : vector<512x1xi32> to vector<512x512xi32>
    %xor3A_177 = arith.xori %xor3A_175, %xor3A_176 : vector<512x512xi32>
    %slice3A_178 = vector.extract_strided_slice %abs3A {offsets = [7, 0], sizes = [1, 512], strides = [1, 1]} : vector<8x512xi32> to vector<1x512xi32>
    %slice3A_179 = vector.extract_strided_slice %abs3A_27 {offsets = [0, 7], sizes = [512, 1], strides = [1, 1]} : vector<512x8xi32> to vector<512x1xi32>
    %xor3A_180 = vector.broadcast %slice3A_178 : vector<1x512xi32> to vector<512x512xi32>
    %xor3A_181 = vector.broadcast %slice3A_179 : vector<512x1xi32> to vector<512x512xi32>
    %xor3A_182 = arith.xori %xor3A_180, %xor3A_181 : vector<512x512xi32>
    %add3A_183 = arith.constant 1 : i32
    %add3A_184 = vector.broadcast %add3A_183 : i32 to vector<512x512xi32>
    %add3A_185 = arith.addi %xor3A_182, %add3A_184 : vector<512x512xi32>
    %convert_element_type3A_186 = arith.sitofp %add3A_185 : vector<512x512xi32> to vector<512x512xf32>
    %bitcast_convert_type3A_187 = tpu.bitcast %convert_element_type3A_186 : vector<512x512xf32> -> vector<512x512xi32>
    %shift_right_logical3A_188 = arith.constant 23 : i32
    %shift_right_logical3A_189 = vector.broadcast %shift_right_logical3A_188 : i32 to vector<512x512xi32>
    %shift_right_logical3A_190 = arith.shrui %bitcast_convert_type3A_187, %shift_right_logical3A_189 : vector<512x512xi32>
    %add3A_191 = arith.addi %add3A_170, %xor3A_177 : vector<512x512xi32>
    %xor3A_192 = arith.xori %shift_right_logical3A_190, %xor3A_177 : vector<512x512xi32>
    %add3A_193 = arith.addi %add3A_172, %xor3A_192 : vector<512x512xi32>
    %mul3A_194 = arith.constant 285 : i32
    %mul3A_195 = vector.broadcast %mul3A_194 : i32 to vector<512x512xi32>
    %mul3A_196 = arith.muli %mul3A_195, %add3A_191 : vector<512x512xi32>
    %add3A_197 = arith.constant 1136 : i32
    %add3A_198 = vector.broadcast %add3A_197 : i32 to vector<512x512xi32>
    %add3A_199 = arith.addi %add3A_198, %mul3A_196 : vector<512x512xi32>
    %sub3A = arith.subi %add3A_199, %add3A_193 : vector<512x512xi32>
    %convert_element_type3A_200 = arith.sitofp %sub3A : vector<512x512xi32> to vector<512x512xf32>
    %mul3A_201 = arith.constant 7.812500e-03 : f32
    %mul3A_202 = vector.broadcast %mul3A_201 : f32 to vector<512x512xf32>
    %mul3A_203 = arith.mulf %convert_element_type3A_200, %mul3A_202 : vector<512x512xf32>
    %sub3A_204 = arith.subf %mul3A_203, %dot_general3A_15 : vector<512x512xf32>
    %exp3A = math.exp %mul3A_203 : vector<512x512xf32>
    %add3A_205 = arith.constant 1.000000e+00 : f32
    %add3A_206 = vector.broadcast %add3A_205 : f32 to vector<512x512xf32>
    %add3A_207 = arith.addf %add3A_206, %exp3A : vector<512x512xf32>
    %log3A = math.log %add3A_207 : vector<512x512xf32>
    %get3A_208 = arith.constant 0 : index
    %get3A_209 = arith.constant 0 : index
    %get3A_210 = vector.load %arg5[%get3A_208, %get3A_209] : memref<1x512xf32, #tpu.memory_space<vmem>>, vector<1x512xf32>
    %mul3A_211 = arith.mulf %sub3A_204, %sub3A_204 : vector<512x512xf32>
    %add3A_212 = arith.addf %mul3A_211, %log3A : vector<512x512xf32>
    %reduce_sum3A_213 = arith.constant dense<0.000000e+00> : vector<512xf32>
    %reduce_sum3A_214 = vector.multi_reduction <add>, %add3A_212, %reduce_sum3A_213 [0] : vector<512x512xf32> to vector<512xf32>
    %broadcast_in_dim3A_215 = vector.shape_cast %reduce_sum3A_214 : vector<512xf32> to vector<1x512xf32>
    %dot_general3A_216 = arith.constant dense<0.000000e+00> : vector<1x512xf32>
    %dot_general3A_217 = tpu.matmul %get3A_210, %mul3A_203, %dot_general3A_216 {dimension_numbers = #tpu.dot_dimension_numbers<[1], [0], [0], [1], [0, 0, 1, 1], [], []>, transpose_lhs_hint = false} : vector<1x512xf32>, vector<512x512xf32>, vector<1x512xf32> -> vector<1x512xf32>
    %get3A_218 = arith.constant 0 : index
    %get3A_219 = arith.constant 0 : index
    %get3A_220 = arith.constant 0 : index
    %get3A_221 = vector.load %arg6[%get3A_218, %get3A_219, %get3A_220] : memref<1x1x512xf32, #tpu.memory_space<vmem>>, vector<1x1x512xf32>
    %get3A_222 = vector.shape_cast %get3A_221 : vector<1x1x512xf32> to vector<1x512xf32>
    %mul3A_223 = arith.mulf %get3A_222, %dot_general3A_217 : vector<1x512xf32>
    %sub3A_224 = arith.subf %broadcast_in_dim3A_215, %mul3A_223 : vector<1x512xf32>
    %div3A = arith.constant 1.000000e+00 : f32
    %div3A_225 = arith.constant 5.120000e+02 : f32
    %div3A_226 = arith.divf %div3A, %div3A_225 : f32
    %mul3A_227 = vector.broadcast %div3A_226 : f32 to vector<1x512xf32>
    %mul3A_228 = arith.mulf %sub3A_224, %mul3A_227 : vector<1x512xf32>
    %swap3A = arith.constant 0 : index
    %swap3A_229 = arith.constant 0 : index
    %swap3A_230 = arith.constant 0 : index
    %swap3A_231 = vector.load %arg7[%swap3A, %swap3A_229, %swap3A_230] : memref<1x1x512xf32, #tpu.memory_space<vmem>>, vector<1x1x512xf32>
    %swap3A_232 = vector.shape_cast %swap3A_231 : vector<1x1x512xf32> to vector<1x512xf32>
    %swap3A_233 = vector.shape_cast %mul3A_228 : vector<1x512xf32> to vector<1x1x512xf32>
    tpu.vector_store %arg7[%swap3A, %swap3A_229, %swap3A_230], %swap3A_233 {strides = array<i32>} : memref<1x1x512xf32, #tpu.memory_space<vmem>>, vector<1x1x512xf32>,
    return
  }
  func.func @transform_0(%arg0: i32) -> (i32, i32) {
    %c0_i32 = arith.constant 0 : i32
    %c0_i32_0 = arith.constant 0 : i32
    return %arg0, %c0_i32 : i32, i32
  }
  func.func @transform_1(%arg0: i32) -> (i32, i32) {
    %c0_i32 = arith.constant 0 : i32
    %c0_i32_0 = arith.constant 0 : i32
    %c0_i32_1 = arith.constant 0 : i32
    return %c0_i32, %c0_i32_0 : i32, i32
  }
  func.func @transform_2(%arg0: i32) -> (i32, i32) {
    %c0_i32 = arith.constant 0 : i32
    %c0_i32_0 = arith.constant 0 : i32
    return %c0_i32, %arg0 : i32, i32
  }
  func.func @transform_3(%arg0: i32) -> (i32, i32) {
    %c0_i32 = arith.constant 0 : i32
    %c0_i32_0 = arith.constant 0 : i32
    %c0_i32_1 = arith.constant 0 : i32
    return %c0_i32, %c0_i32_0 : i32, i32
  }
  func.func @transform_4(%arg0: i32) -> (i32, i32) {
    %c0_i32 = arith.constant 0 : i32
    %c0_i32_0 = arith.constant 0 : i32
    %c0_i32_1 = arith.constant 0 : i32
    return %c0_i32, %c0_i32_0 : i32, i32
  }
  func.func @transform_5(%arg0: i32) -> (i32, i32, i32) {
    %c0_i32 = arith.constant 0 : i32
    %c0_i32_0 = arith.constant 0 : i32
    %c0_i32_1 = arith.constant 0 : i32
    return %arg0, %c0_i32, %c0_i32_0 : i32, i32, i32
  }
  func.func @transform_6(%arg0: i32) -> (i32, i32, i32) {
    %c0_i32 = arith.constant 0 : i32
    %c0_i32_0 = arith.constant 0 : i32
    %c0_i32_1 = arith.constant 0 : i32
    return %arg0, %c0_i32, %c0_i32_0 : i32, i32, i32
  }
}

</mosaic_0001>

<sc_bundles>
// kernel: kernel.4.cloned.1.call-start
scs
__scs_entry_jumppad:
0x0: {  	(pc) =	sbr.rel $0x88, $3  }
0x1: {  	(tag) =	ssettag $0x0;
	lr =	simm.s32 $0x1  }
0x2: {  	[smem:$0x3F99] =	sst lr;
	_ =	strace $0xD0000000  }
0x3: {  	_ = 	snop  }
0x4: {  	_ = 	snop  }
0x5: {  	_ = 	snop  }
0x6: {  	_ = 	snop  }
0x7: {  	_ = 	snop  }
__scs_overlays_trampoline_lowered:
0x8: {  	[smem:$0x3FA8] =	sst s0  }
0x9: {  	[smem:$0x3FA9] =	sst s1  }
0xa: {  	[smem:$0x3FAA] =	sst s2  }
0xb: {  	[smem:$0x3FAB] =	sst s3  }
0xc: {  	[smem:$0x3FAC] =	sst s4  }
0xd: {  	[smem:$0x3FAD] =	sst s5  }
0xe: {  	[smem:$0x3FAE] =	sst s6  }
0xf: {  	[smem:$0x3FAF] =	sst s7  }
0x10: {  	[smem:$0x3FB0] =	sst s8  }
0x11: {  	[smem:$0x3FB1] =	sst s9;
	s0 =	simm.s32 @!p0 $0x0  }
0x12: {  	s1 =	sld [smem:$0x3F97];
	s0 =	simm.s32 @p0 $0x1  }
0x13: {  	[smem:$0x3FB2] =	sst s0;
	s0 =	simm.s32 @!p1 $0x0  }
0x14: {  	s2 =	sld [smem:$0x3F96];
	s0 =	simm.s32 @p1 $0x1  }
0x15: {  	[smem:$0x3FB3] =	sst s0;
	s0 =	simm.s32 @!p2 $0x0  }
0x16: {  	s3 =	sld [smem:$0x3FDB];
	s0 =	simm.s32 @p2 $0x1  }
0x17: {  	s4 =	simm.s32 $0x1BF5;
	[smem:$0x3FB5] =	sst s0  }
0x18: {  	s0 =	sld [smem:$0x3F98];
	_ =	swait.ge [sflag:s4], $0x0  }
0x19: {  	s7 =	sld [smem:$0x3F99]  }
0x1a: {  	s8 =	sadd.s32 $0xFFFFE003, lr  }
0x1b: {  	s9 =	sadd.s32 $0xFFFFFEF7, lr;
	s5 =	simm.s32 $0xFFFFFFFF;
	p2 =	slt.u32 s8, $0xFFFFF086  }
0x1c: {  	p1 =	slt.u32 s9, $0xF7A;
	s5 =	simm.s32 @!p2 $0x0  }
0x1d: {  	s5 =	simm.s32 @p1 $0x1;
	p0 =	seq.s32 s7, s2  }
0x1e: {  	s7 =	smul.u32 @!p0 $0xF7A, s2;
	p2 =	seq.s32 @!p0 s5, $0x0  }
0x1f: {  	s9 =	smul.u32 $0xF7A, s1;
	s8 =	simm.s32 @!p0 $0x1BF5;
	p2 =	por !p2, p0  }
0x20: {  	[sflag:s8] =	ssyncset.s32 @!p0 $0xFFFFF086;
	s6 =	sadd.s32 @!p0 s3, s7;
	s7 =	simm.s32 @!p0 $0x108  }
0x21: {  	s3 =	sadd.s32 s3, s9;
	s6 =	sadd.s32 @!p0 $0x88, s6;
	s7 =	simm.s32 @p2 $0x1082  }
0x22: {  	[simem:s7], [sflag:s8] =	dma.local @!p0 [hbm:s6], $0xF7A  }
0x23: {  	s9 =	sor.u32 $0xD0000000, s2;
	s6 =	simm.s32 $0x108;
	_ =	swait.ge @!p0 [sflag:s8], $0x0  }
0x24: {  	s3 =	sadd.s32 $0x88, s3;
	s6 =	simm.s32 @!p1 $0x1082;
	[sflag:s4] =	ssyncset.s32 $0xFFFFF086  }
0x25: {  	[simem:s6], [sflag:s4] =	dma.local [hbm:s3], $0xF7A  }
0x26: {  	[smem:$0x3F99] =	sst s1;
	(tag) =	ssettag s2;
	_ =	strace s9  }
0x27: {  	s1 =	sld [smem:$0x3FA9]  }
0x28: {  	s2 =	sld [smem:$0x3FAA]  }
0x29: {  	s4 =	sld [smem:$0x3FAC]  }
0x2a: {  	p0 =	seq.s32 s5, $0x0;
	s5 =	sld [smem:$0x3FAD]  }
0x2b: {  	s6 =	sld [smem:$0x3FAE]  }
0x2c: {  	s7 =	sld [smem:$0x3FAF]  }
0x2d: {  	s3 =	simm.s32 $0x108;
	s8 =	sld [smem:$0x3FB0]  }
0x2e: {  	s3 =	simm.s32 @!p0 $0x1082;
	s9 =	sld [smem:$0x3FB1]  }
0x2f: {  	lr =	sadd.s32 s0, s3;
	s0 =	sld [smem:$0x3FA8]  }
0x30: {  	s3 =	sld [smem:$0x3FAB]  }
0x31: {  	[smem:$0x3FB4] =	sst s10  }
0x32: {  	s10 =	sld [smem:$0x3FB2];
	_ =	sdelay $0x3  }
0x33: {  	p0 =	seq.s32 s10, $0x1;
	s10 =	sld [smem:$0x3FB4];
	_ =	sdelay $0x3  }
0x34: {  	[smem:$0x3FB4] =	sst s10  }
0x35: {  	s10 =	sld [smem:$0x3FB3];
	_ =	sdelay $0x3  }
0x36: {  	p1 =	seq.s32 s10, $0x1;
	s10 =	sld [smem:$0x3FB4];
	_ =	sdelay $0x3  }
0x37: {  	[smem:$0x3FB4] =	sst s10  }
0x38: {  	s10 =	sld [smem:$0x3FB5]  }
0x39: {  	_ = 	snop;
	(pc) =	sbr.ind lr, $3  }
0x3a: {  	_ = 	snop  }
0x3b: {  	_ = 	snop  }
0x3c: {  	p2 =	seq.s32 s10, $0x1;
	s10 =	sld [smem:$0x3FB4]  }
0x3d: {  	_ =	shalt  }
0x3e: {  	_ =	shalt  }
0x3f: {  	_ =	shalt  }
0x40: {  	_ =	shalt  }
0x41: {  	_ =	shalt  }
0x42: {  	_ =	shalt  }
0x43: {  	_ =	shalt  }
0x44: {  	_ =	shalt  }
0x45: {  	_ =	shalt  }
0x46: {  	_ =	shalt  }
0x47: {  	_ =	shalt  }
0x48: {  	_ =	shalt  }
0x49: {  	_ =	shalt  }
0x4a: {  	_ =	shalt  }
0x4b: {  	_ =	shalt  }
0x4c: {  	_ =	shalt  }
0x4d: {  	_ =	shalt  }
0x4e: {  	_ =	shalt  }
0x4f: {  	_ =	shalt  }
0x50: {  	_ =	shalt  }
0x51: {  	_ =	shalt  }
0x52: {  	_ =	shalt  }
0x53: {  	_ =	shalt  }
0x54: {  	_ =	shalt  }
0x55: {  	_ =	shalt  }
0x56: {  	_ =	shalt  }
0x57: {  	_ =	shalt  }
0x58: {  	_ =	shalt  }
0x59: {  	_ =	shalt  }
0x5a: {  	_ =	shalt  }
0x5b: {  	_ =	shalt  }
0x5c: {  	_ =	shalt  }
0x5d: {  	_ =	shalt  }
0x5e: {  	_ =	shalt  }
0x5f: {  	_ =	shalt  }
0x60: {  	_ =	shalt  }
0x61: {  	_ =	shalt  }
0x62: {  	_ =	shalt  }
0x63: {  	_ =	shalt  }
0x64: {  	_ =	shalt  }
0x65: {  	_ =	shalt  }
0x66: {  	_ =	shalt  }
0x67: {  	_ =	shalt  }
0x68: {  	_ =	shalt  }
0x69: {  	_ =	shalt  }
0x6a: {  	_ =	shalt  }
0x6b: {  	_ =	shalt  }
0x6c: {  	_ =	shalt  }
0x6d: {  	_ =	shalt  }
0x6e: {  	_ =	shalt  }
0x6f: {  	_ =	shalt  }
0x70: {  	_ =	shalt  }
0x71: {  	_ =	shalt  }
0x72: {  	_ =	shalt  }
0x73: {  	_ =	shalt  }
0x74: {  	_ =	shalt  }
0x75: {  	_ =	shalt  }
0x76: {  	_ =	shalt  }
0x77: {  	_ =	shalt  }
0x78: {  	_ =	shalt  }
0x79: {  	_ =	shalt  }
0x7a: {  	_ =	shalt  }
0x7b: {  	_ =	shalt  }
0x7c: {  	_ =	shalt  }
0x7d: {  	_ =	shalt  }
0x7e: {  	_ =	shalt  }
0x7f: {  	_ =	shalt  }
0x80: {  	_ =	shalt  }
0x81: {  	_ =	shalt  }
0x82: {  	_ =	shalt  }
0x83: {  	_ =	shalt  }
0x84: {  	_ =	shalt  }
0x85: {  	_ =	shalt  }
0x86: {  	_ =	shalt  }
0x87: {  	_ =	shalt  }
.Lfunc_end0:
.L_simem_size_0:
called_computation_lowered:
.L_overlay_start_0:
0x88: {  	s2 =	sld [smem:$0x3FD9]  }
0x89: {  	s3 =	sld [smem:$0x3FFE];
	_ =	sdelay $0x1  }
0x8a: {  	s1 =	srdreg.scid  }
0x8b: {  	s0 =	sand.u32 $0x1, s1  }
0x8c: {  	s17 =	sshll.u32 s0, $0xA;
	s2 =	sadd.s32 s3, s2  }
0x8d: {  	s2 =	sadd.s32 s2, s17  }
0x8e: {  	[smem:$0x3FC0] =	sst s2  }
0x8f: {  	_ = 	snop  }
0x90: {  	s2 =	sld [smem:$0x3FC9]  }
0x91: {  	s18 =	sld [smem:$0x3FC7]  }
0x92: {  	s4 =	sld [smem:$0x3FC6]  }
0x93: {  	s5 =	sld [smem:$0x3FC5]  }
0x94: {  	s6 =	sld [smem:$0x3FC2]  }
0x95: {  	s7 =	sld [smem:$0x3FD0];
	(tm) =	ssettm $0x1  }
0x96: {  	s8 =	sld [smem:$0x3FFB];
	_ =	sdelay $0x3  }
0x97: {  	_ =	strace s8  }
0x98: {  	s8 =	sld [smem:$0x3FFC];
	_ =	sdelay $0x3  }
0x99: {  	_ =	strace s8  }
0x9a: {  	s8 =	sld [smem:$0x3FFD];
	_ =	sdelay $0x3  }
0x9b: {  	_ =	strace s8  }
0x9c: {  	_ =	strace $0x8FFFFFFF  }
0x9d: {  	s19 =	sld [smem:$0x3FDB];
	_ =	sdelay $0x1  }
0x9e: {  	s9 =	simm.s32 $_scs_section_size  }
0x9f: {  	s10 =	simm.s32 $_size__tile_overlayer_lowered;
	s11 =	simm.s32 $_tile_overlayer_lowered  }
0xa0: {  	s22 =	simm.s32 $0x1BFF;
	s21 =	sshll.u32 s11, $0x1;
	s8 =	sadd.s32 s9, s19  }
0xa1: {  	s12 =	simm.s32 $0x0;
	s20 =	sshll.u32 s10, $0x1;
	s10 =	sadd.s32 s21, s8  }
0xa2: {  	[timem:s12], [sflag:s22] =	dma.local [hbm:s10], s20  }
0xa3: {  	_ =	swait.ge [sflag:s22], s20  }
0xa4: {  	s9 =	ssub.s32 $0x0, s20;
	[sflag:s22] =	ssyncset.done $0x0  }
0xa5: {  	[sflag:s22] =	ssyncadd.s32 s9;
	_ =	sdelay $0x1  }
0xa6: {  	s23 =	simm.s32 $0x1B8B  }
0xa7: {  	_ =	swait.ge [sflag:s23], $0x1  }
0xa8: {  	[sflag:s23] =	ssyncset.done $0x0  }
0xa9: {  	s25 =	simm.s32 $0x1B8E;
	s24 =	sld [smem:$0x3FFE];
	[sflag:s23] =	ssyncadd.s32 $0xFFFFFFFF  }
0xaa: {  	s26 =	simm.s32 $execute0_lowered;
	[smem:$0x3FD2] =	sst s25  }
0xab: {  	s10 =	sshll.u32 s26, $0x1;
	_ =	strace $0x80000046;
	[dreg:$0x1] =	wrdreg $0xFFFFFFFF  }
0xac: {  	s28 =	simm.s32 $_size_execute0_lowered;
	s8 =	sadd.s32 s8, s10;
	[dreg:$0x0] =	wrdreg $0x0  }
0xad: {  	s10 =	sshll.u32 s28, $0x1;
	[dreg:$0x2] =	wrdreg s8  }
0xae: {  	[dreg:$0x3] =	wrdreg s10  }
0xaf: {  	[dreg:$0x4] =	wrdreg $0xC0  }
0xb0: {  	_ =	task [dreg:s12], $0x5FFFF  }
0xb1: {  	[dreg:$0x1] =	wrdreg $0xFFFFFFFF  }
0xb2: {  	[dreg:$0x0] =	wrdreg $0x60  }
0xb3: {  	[dreg:$0x2] =	wrdreg s24  }
0xb4: {  	[dreg:$0x3] =	wrdreg s4  }
0xb5: {  	[dreg:$0x4] =	wrdreg s18  }
0xb6: {  	[dreg:$0x5] =	wrdreg s6  }
0xb7: {  	[dreg:$0x6] =	wrdreg s2  }
0xb8: {  	[dreg:$0x7] =	wrdreg s5  }
0xb9: {  	[dreg:$0x8] =	wrdreg s7  }
0xba: {  	[dreg:$0x9] =	wrdreg $0x9  }
0xbb: {  	_ =	task.clear_ibuf [dreg:s12], $0xAFFFF;
	_ =	strace $0x90000046  }
0xbc: {  	s29 =	simm.s32 $0x9;
	_ =	strace $0x80000048  }
0xbd: {  	_ =	swait.ge [sflag:s29], $0x1  }
0xbe: {  	[sflag:s29] =	ssyncadd.s32 $0xFFFFFFFF  }
0xbf: {  	_ =	strace $0x90000048  }
0xc0: {  	_ =	sfence  }
0xc1: {  	s30 =	sld [smem:$0x0];
	_ =	sdelay $0x2  }
0xc2: {  	s31 =	sshll.u32 s1, $0xD;
	s1 =	sshrl.u32 s1, $0x2  }
0xc3: {  	s3 =	sand.u32 $0x4000, s31;
	s1 =	sadd.s32 s1, s30  }
0xc4: {  	s0 =	sor.u32 s3, s0;
	s1 =	sshll.u32 s1, $0x11  }
0xc5: {  	s0 =	sor.u32 s1, s0  }
0xc6: {  	s0 =	sadd.s32 $0x8F2B, s0  }
0xc7: {  	[sflag:s0] =	ssyncadd.remote.s32 $0x1  }
0xc8: {  	_ =	sfence.sel $0xFFFF  }
0xc9: {  	[dreg:$0x0] =	wrdreg $0xFFFFFFFF;
	(pc) =	sbr.abs _section_cstart, $3  }
0xca: {  	[dreg:$0x1] =	wrdreg $0xFFFFFFFF  }
0xcb: {  	_ =	task.clear_ibuf [dreg:s12], $0x2FFFF;
	_ =	strace $0x9FFFFFFF  }
0xcc: {  	(tm) =	ssettm $0x7FFFFFFF  }
0xcd: {  	_ =	shalt  }
tec
execute0_lowered:
.L_overlay_start_1:
0x0: {  	(tag) =	ssettag $0x1  }
0x1: {  	s0 =	rddreg [dreg:$0x0]  }
0x2: {  	s1 =	rddreg [dreg:$0x1]  }
0x3: {  	s2 =	rddreg [dreg:$0x2]  }
0x4: {  	s3 =	rddreg [dreg:$0x3]  }
0x5: {  	s20 =	rddreg [dreg:$0x4]  }
0x6: {  	s21 =	rddreg [dreg:$0x5]  }
0x7: {  	s4 =	rddreg [dreg:$0x6]  }
0x8: {  	s23 =	rddreg [dreg:$0x7];
	s5 =	srdreg.scid  }
0x9: {  	s6 =	stileid.u32;
	s10 =	simm.s32 $0x180;
	s13 =	simm.s32 $0x80  }
0xa: {  	s29 =	simm.s32 $0x4D0;
	s30 =	simm.s32 $0x4E0;
	[dreg:$0x8] =	wrdreg s2  }
0xb: {  	s31 =	simm.s32 $0x4F0;
	s28 =	simm.s32 $0x500;
	[dreg:$0x9] =	wrdreg s20  }
0xc: {  	p0 =	por $0x0, $0x0;
	[dreg:$0xa] =	wrdreg s21;
	s2 =	simm.s32 $0x0  }
0xd: {  	s5 =	sand.u32 $0x1, s5;
	s6 =	sshll.u32 s6, $0x1;
	s12 =	sadd.s32 $0x1000, s0  }
0xe: {  	s14 =	sadd.s32 $0x40D4, s0;
	s15 =	sadd.s32 $0x71A8, s0;
	s16 =	sadd.s32 $0xA27C, s0  }
0xf: {  	s17 =	sadd.s32 $0xD350, s0;
	s18 =	sadd.s32 $0x10424, s0;
	s19 =	sadd.s32 $0x134F8, s0  }
0x10: {  	s20 =	sadd.s32 $0x165CC, s0;
	s21 =	simm.s32 $0x280;
	[smem:$0x7FF] =	sst s2  }
0x11: {  	s6 =	sor.u32 s5, s6;
	s5 =	ssub.s32 $0x2, s5;
	_ =	strace $0x80000047  }
0x12: {  	s7 =	sshll.u32 s6, $0x4;
	s8 =	sshll.u32 s6, $0x8;
	[dreg:$0x12] =	wrdreg s10  }
0x13: {  	s6 =	sshll.u32 s6, $0x1;
	s22 =	sshrl.u32 s5, $0x1;
	[dreg:$0x13] =	wrdreg s21  }
0x14: {  	s21 =	simm.s32 $0x480;
	s10 =	simm.s32 $0x520;
	s9 =	sadd.s32 s7, s0  }
0x15: {  	s8 =	sadd.s32 s8, s0;
	s1 =	sadd.s32 s1, s7;
	s24 =	sadd.s32 s3, s6  }
0x16: {  	s25 =	sadd.s32 s6, s0;
	s5 =	ssub.s32 s5, s22;
	[dreg:$0xb] =	wrdreg s1  }
0x17: {  	s6 =	sadd.s32 s4, s6;
	s3 =	simm.s32 $0x5;
	[dreg:$0xc] =	wrdreg s24  }
0x18: {  	s22 =	simm.s32 $0x300;
	s4 =	simm.s32 $0x200;
	[dreg:$0xe] =	wrdreg s6  }
0x19: {  	s26 =	sadd.s32 $0x19800, s9;
	s7 =	sadd.s32 $0x1A800, s8;
	[dreg:$0x14] =	wrdreg s22  }
0x1a: {  	s8 =	sadd.s32 $0x1C800, s25;
	s9 =	simm.s32 $0x100;
	[dreg:$0xd] =	wrdreg s26  }
0x1b: {  	s11 =	smax.u32 s5, $0x1;
	s24 =	simm.s32 $0x380;
	[dreg:$0xf] =	wrdreg s7  }
0x1c: {  	s25 =	simm.s32 $0x400;
	s5 =	simm.s32 $0x10;
	[dreg:$0x10] =	wrdreg s8  }
0x1d: {  	s6 =	simm.s32 $0xD20;
	[dreg:$0x11] =	wrdreg s9;
	p1 =	sne.s32 s11, $0x1  }
.Ltmp0:
0x1e: {  	s22 =	simm.s32 $0x1;
	[dreg:$0x15] =	wrdreg s24;
	(pc) =	sbr.rel @!p1 .LBB2_1-.Ltmp0, $4  }
0x1f: {  	[dreg:$0x16] =	wrdreg s25;
	s24 =	simm.s32 $0x490;
	s7 =	simm.s32 $0x2  }
0x20: {  	s26 =	simm.s32 $0x4B0;
	s8 =	simm.s32 $0x4A0;
	s0 =	sadd.s32 $0xFFFFFFFF, s11  }
0x21: {  	s25 =	simm.s32 $0x1000;
	s11 =	simm.s32 $0x3;
	s1 =	rddreg [dreg:$0xb]  }
0x22: {  	s9 =	simm.s32 $0x4;
	[dreg:$0x17] =	wrdreg s26;
	s26 =	simm.s32 $0x510  }
0x23: {  	[tilespmem:s2], [sflag:$0x5] =	stream.linear.gather [hbm4b:s1+s2], $0x80, $0x38;
	[tilespmem:$0xD30] =	vst v63  }
0x24: {  	_ =	swait.ge [sflag:s3], $0x80  }
0x25: {  	[sflag:s3] =	ssyncset.done $0x0  }
0x26: {  	s23 =	rddreg [dreg:$0xc];
	[sflag:s3] =	ssyncadd.s32 $0xFFFFFF80  }
0x27: {  	[tilespmem:s21], [sflag:$0x5] =	stream.linear.gather [hbm4b:s23+s2], $0x10, $0x38;
	[tilespmem:$0xD30] =	vst v63  }
0x28: {  	_ =	swait.ge [sflag:s3], $0x10  }
0x29: {  	[sflag:s3] =	ssyncset.done $0x0  }
0x2a: {  	[sflag:s3] =	ssyncadd.s32 $0xFFFFFFF0  }
0x2b: {  	[tilespmem:s13], [sflag:$0x1] =	stream.indirect.gather [hbm4b:s12+s13], $0x1, s2, s13, $0xb8;
	[tilespmem:$0xD30] =	vst v63  }
0x2c: {  	s1 =	rddreg [dreg:$0x11]  }
0x2d: {  	[tilespmem:s1], [sflag:$0x1] =	stream.indirect.gather [hbm4b:s14+s13], $0x1, s2, s13, $0xb8;
	[tilespmem:$0xD30] =	vst v63  }
0x2e: {  	s23 =	smov.u32 s0;
	s0 =	rddreg [dreg:$0x12]  }
0x2f: {  	[tilespmem:s0], [sflag:$0x1] =	stream.indirect.gather [hbm4b:s15+s13], $0x1, s2, s13, $0xb8;
	[tilespmem:$0xD30] =	vst v63  }
0x30: {  	_ = 	snop  }
0x31: {  	[tilespmem:s4], [sflag:$0x1] =	stream.indirect.gather [hbm4b:s16+s13], $0x1, s2, s13, $0xb8;
	[tilespmem:$0xD30] =	vst v63  }
0x32: {  	s0 =	rddreg [dreg:$0x13]  }
0x33: {  	[tilespmem:s0], [sflag:$0x1] =	stream.indirect.gather [hbm4b:s17+s13], $0x1, s2, s13, $0xb8;
	[tilespmem:$0xD30] =	vst v63  }
0x34: {  	s1 =	rddreg [dreg:$0x14]  }
0x35: {  	[tilespmem:s1], [sflag:$0x1] =	stream.indirect.gather [hbm4b:s18+s13], $0x1, s2, s13, $0xb8;
	[tilespmem:$0xD30] =	vst v63  }
0x36: {  	s0 =	rddreg [dreg:$0x15]  }
0x37: {  	[tilespmem:s0], [sflag:$0x1] =	stream.indirect.gather [hbm4b:s19+s13], $0x1, s2, s13, $0xb8;
	[tilespmem:$0xD30] =	vst v63  }
0x38: {  	s1 =	rddreg [dreg:$0x16]  }
0x39: {  	[tilespmem:s1], [sflag:$0x1] =	stream.indirect.gather [hbm4b:s20+s13], $0x1, s2, s13, $0xb8;
	[tilespmem:$0xD30] =	vst v63  }
0x3a: {  	s0 =	rddreg [dreg:$0x8]  }
0x3b: {  	[tilespmem:s24], [sflag:$0x2] =	stream.indirect.gather [hbm4b:s0+s5], $0x1, s21, s5, $0xb8;
	[tilespmem:$0xD30] =	vst v63  }
0x3c: {  	_ =	swait.ge [sflag:s7], $0x10  }
0x3d: {  	[sflag:s7] =	ssyncset.done $0x0  }
0x3e: {  	[sflag:s7] =	ssyncadd.s32 $0xFFFFFFF0  }
0x3f: {  	[tilespmem:s8], [sflag:$0x2] =	stream.indirect.gather [hbm4b:s12+s5], $0x1, s24, s5, $0xb8;
	[tilespmem:$0xD30] =	vst v63  }
0x40: {  	s1 =	rddreg [dreg:$0x17]  }
0x41: {  	[tilespmem:s1], [sflag:$0x2] =	stream.indirect.gather [hbm4b:s14+s5], $0x1, s24, s5, $0xb8;
	[tilespmem:$0xD30] =	vst v63  }
0x42: {  	s1 =	simm.s32 $0x4C0  }
0x43: {  	[tilespmem:s1], [sflag:$0x2] =	stream.indirect.gather [hbm4b:s15+s5], $0x1, s24, s5, $0xb8;
	[tilespmem:$0xD30] =	vst v63  }
0x44: {  	_ = 	snop  }
0x45: {  	[tilespmem:s29], [sflag:$0x2] =	stream.indirect.gather [hbm4b:s16+s5], $0x1, s24, s5, $0xb8;
	[tilespmem:$0xD30] =	vst v63  }
0x46: {  	_ = 	snop  }
0x47: {  	[tilespmem:s30], [sflag:$0x2] =	stream.indirect.gather [hbm4b:s17+s5], $0x1, s24, s5, $0xb8;
	[tilespmem:$0xD30] =	vst v63  }
0x48: {  	_ = 	snop  }
0x49: {  	[tilespmem:s31], [sflag:$0x2] =	stream.indirect.gather [hbm4b:s18+s5], $0x1, s24, s5, $0xb8;
	[tilespmem:$0xD30] =	vst v63  }
0x4a: {  	_ = 	snop  }
0x4b: {  	[tilespmem:s28], [sflag:$0x2] =	stream.indirect.gather [hbm4b:s19+s5], $0x1, s24, s5, $0xb8;
	[tilespmem:$0xD30] =	vst v63  }
0x4c: {  	_ = 	snop  }
0x4d: {  	[tilespmem:s26], [sflag:$0x2] =	stream.indirect.gather [hbm4b:s20+s5], $0x1, s24, s5, $0xb8;
	[tilespmem:$0xD30] =	vst v63  }
0x4e: {  	s0 =	rddreg [dreg:$0x9]  }
0x4f: {  	[tilespmem:s10], [sflag:$0x3] =	stream.indirect.gather [hbm4b:s0+s5], $0x80, s21, s5, $0xb8;
	[tilespmem:$0xD30] =	vst v63  }
0x50: {  	s1 =	rddreg [dreg:$0xa]  }
0x51: {  	[tilespmem:s6], [sflag:$0x4] =	stream.indirect.gather [hbm4b:s1+s5], $0x1, s21, s5, $0xb8;
	[tilespmem:$0xD30] =	vst v63  }
0x52: {  	_ =	swait.ge [sflag:s22], $0x80  }
0x53: {  	[sflag:s22] =	ssyncset.done $0x0  }
0x54: {  	[sflag:s22] =	ssyncadd.s32 $0xFFFFFF80  }
0x55: {  	_ =	swait.ge [sflag:s22], $0x80  }
0x56: {  	[sflag:s22] =	ssyncset.done $0x0  }
0x57: {  	[sflag:s22] =	ssyncadd.s32 $0xFFFFFF80  }
0x58: {  	_ =	swait.ge [sflag:s22], $0x80  }
0x59: {  	[sflag:s22] =	ssyncset.done $0x0  }
0x5a: {  	[sflag:s22] =	ssyncadd.s32 $0xFFFFFF80  }
0x5b: {  	_ =	swait.ge [sflag:s22], $0x80  }
0x5c: {  	[sflag:s22] =	ssyncset.done $0x0  }
0x5d: {  	[sflag:s22] =	ssyncadd.s32 $0xFFFFFF80  }
0x5e: {  	_ =	swait.ge [sflag:s22], $0x80  }
0x5f: {  	[sflag:s22] =	ssyncset.done $0x0  }
0x60: {  	[sflag:s22] =	ssyncadd.s32 $0xFFFFFF80  }
0x61: {  	_ =	swait.ge [sflag:s22], $0x80  }
0x62: {  	[sflag:s22] =	ssyncset.done $0x0  }
0x63: {  	[sflag:s22] =	ssyncadd.s32 $0xFFFFFF80  }
0x64: {  	_ =	swait.ge [sflag:s22], $0x80  }
0x65: {  	[sflag:s22] =	ssyncset.done $0x0  }
0x66: {  	[sflag:s22] =	ssyncadd.s32 $0xFFFFFF80  }
0x67: {  	_ =	swait.ge [sflag:s22], $0x80  }
0x68: {  	[sflag:s22] =	ssyncset.done $0x0  }
0x69: {  	s1 =	rddreg [dreg:$0xd];
	[sflag:s22] =	ssyncadd.s32 $0xFFFFFF80  }
0x6a: {  	[hbm4b:s1+s13] =	stream.strided.scatter [tilespmem:s13], [sflag:$0x5], $0x400, s25, s13, $0x38;
	[tilespmem:$0xD30] =	vst v63  }
0x6b: {  	_ =	swait.ge [sflag:s3], $0x400  }
0x6c: {  	[sflag:s3] =	ssyncset.done $0x0  }
0x6d: {  	[sflag:s3] =	ssyncadd.s32 $0xFFFFFC00  }
0x6e: {  	_ =	swait.ge [sflag:s7], $0x10  }
0x6f: {  	[sflag:s7] =	ssyncset.done $0x0  }
0x70: {  	[sflag:s7] =	ssyncadd.s32 $0xFFFFFFF0  }
0x71: {  	_ =	swait.ge [sflag:s7], $0x10  }
0x72: {  	[sflag:s7] =	ssyncset.done $0x0  }
0x73: {  	[sflag:s7] =	ssyncadd.s32 $0xFFFFFFF0  }
0x74: {  	_ =	swait.ge [sflag:s7], $0x10  }
0x75: {  	[sflag:s7] =	ssyncset.done $0x0  }
0x76: {  	[sflag:s7] =	ssyncadd.s32 $0xFFFFFFF0  }
0x77: {  	_ =	swait.ge [sflag:s7], $0x10  }
0x78: {  	[sflag:s7] =	ssyncset.done $0x0  }
0x79: {  	[sflag:s7] =	ssyncadd.s32 $0xFFFFFFF0  }
0x7a: {  	_ =	swait.ge [sflag:s7], $0x10  }
0x7b: {  	[sflag:s7] =	ssyncset.done $0x0  }
0x7c: {  	[sflag:s7] =	ssyncadd.s32 $0xFFFFFFF0  }
0x7d: {  	_ =	swait.ge [sflag:s7], $0x10  }
0x7e: {  	[sflag:s7] =	ssyncset.done $0x0  }
0x7f: {  	[sflag:s7] =	ssyncadd.s32 $0xFFFFFFF0  }
0x80: {  	_ =	swait.ge [sflag:s7], $0x10  }
0x81: {  	[sflag:s7] =	ssyncset.done $0x0  }
0x82: {  	[sflag:s7] =	ssyncadd.s32 $0xFFFFFFF0  }
0x83: {  	_ =	swait.ge [sflag:s7], $0x10  }
0x84: {  	[sflag:s7] =	ssyncset.done $0x0  }
0x85: {  	s1 =	rddreg [dreg:$0xe];
	[sflag:s7] =	ssyncadd.s32 $0xFFFFFFF0  }
0x86: {  	[hbm4b:s1+s5] =	stream.strided.scatter [tilespmem:s8], [sflag:$0x5], $0x80, s4, s5, $0x38;
	[tilespmem:$0xD30] =	vst v63  }
0x87: {  	_ =	swait.ge [sflag:s3], $0x80  }
0x88: {  	[sflag:s3] =	ssyncset.done $0x0  }
0x89: {  	[sflag:s3] =	ssyncadd.s32 $0xFFFFFF80  }
0x8a: {  	_ =	swait.ge [sflag:s11], $0x800  }
0x8b: {  	[sflag:s11] =	ssyncset.done $0x0  }
0x8c: {  	s1 =	rddreg [dreg:$0xf];
	[sflag:s11] =	ssyncadd.s32 $0xFFFFF800  }
0x8d: {  	[hbm4b:s1+s2] =	stream.linear.scatter [tilespmem:s10], [sflag:$0x5], $0x800, $0x38;
	[tilespmem:$0xD30] =	vst v63  }
0x8e: {  	_ =	swait.ge [sflag:s3], $0x800  }
0x8f: {  	[sflag:s3] =	ssyncset.done $0x0  }
0x90: {  	[sflag:s3] =	ssyncadd.s32 $0xFFFFF800  }
0x91: {  	p1 =	sne.s32 s23, $0x1;
	_ =	swait.ge [sflag:s9], $0x10  }
.Ltmp1:
0x92: {  	[sflag:s9] =	ssyncset.done $0x0;
	(pc) =	sbr.rel @!p1 .LBB2_3-.Ltmp1, $4  }
0x93: {  	s1 =	rddreg [dreg:$0x10];
	[sflag:s9] =	ssyncadd.s32 $0xFFFFFFF0  }
0x94: {  	[hbm4b:s1+s2] =	stream.linear.scatter [tilespmem:s6], [sflag:$0x5], $0x10, $0x38;
	[tilespmem:$0xD30] =	vst v63  }
0x95: {  	p0 =	por $0x1, $0x1;
	_ =	swait.ge [sflag:s3], $0x10  }
0x96: {  	s0 =	sadd.s32 $0xFFFFFFFF, s23;
	s1 =	rddreg [dreg:$0xb];
	[sflag:s3] =	ssyncset.done $0x0  }
.LBB2_4:
0x97: {  	[sflag:s3] =	ssyncadd.s32 $0xFFFFFFF0  }
0x98: {  	[tilespmem:s2], [sflag:$0x5] =	stream.linear.gather [hbm4b:s1+s2], $0x80, $0x38;
	[tilespmem:$0xD30] =	vst v63  }
0x99: {  	_ =	swait.ge [sflag:s3], $0x80  }
0x9a: {  	[sflag:s3] =	ssyncset.done $0x0  }
0x9b: {  	s23 =	rddreg [dreg:$0xc];
	[sflag:s3] =	ssyncadd.s32 $0xFFFFFF80  }
0x9c: {  	[tilespmem:s21], [sflag:$0x5] =	stream.linear.gather [hbm4b:s23+s2], $0x10, $0x38;
	[tilespmem:$0xD30] =	vst v63  }
0x9d: {  	_ =	swait.ge [sflag:s3], $0x10  }
0x9e: {  	[sflag:s3] =	ssyncset.done $0x0  }
0x9f: {  	[sflag:s3] =	ssyncadd.s32 $0xFFFFFFF0  }
0xa0: {  	[tilespmem:s13], [sflag:$0x1] =	stream.indirect.gather [hbm4b:s12+s13], $0x1, s2, s13, $0xb8;
	[tilespmem:$0xD30] =	vst v63  }
0xa1: {  	s1 =	rddreg [dreg:$0x11]  }
0xa2: {  	[tilespmem:s1], [sflag:$0x1] =	stream.indirect.gather [hbm4b:s14+s13], $0x1, s2, s13, $0xb8;
	[tilespmem:$0xD30] =	vst v63  }
0xa3: {  	s23 =	rddreg [dreg:$0x12]  }
0xa4: {  	[tilespmem:s23], [sflag:$0x1] =	stream.indirect.gather [hbm4b:s15+s13], $0x1, s2, s13, $0xb8;
	[tilespmem:$0xD30] =	vst v63  }
0xa5: {  	_ = 	snop  }
0xa6: {  	[tilespmem:s4], [sflag:$0x1] =	stream.indirect.gather [hbm4b:s16+s13], $0x1, s2, s13, $0xb8;
	[tilespmem:$0xD30] =	vst v63  }
0xa7: {  	s1 =	rddreg [dreg:$0x13]  }
0xa8: {  	[tilespmem:s1], [sflag:$0x1] =	stream.indirect.gather [hbm4b:s17+s13], $0x1, s2, s13, $0xb8;
	[tilespmem:$0xD30] =	vst v63  }
0xa9: {  	s23 =	rddreg [dreg:$0x14]  }
0xaa: {  	[tilespmem:s23], [sflag:$0x1] =	stream.indirect.gather [hbm4b:s18+s13], $0x1, s2, s13, $0xb8;
	[tilespmem:$0xD30] =	vst v63  }
0xab: {  	s1 =	rddreg [dreg:$0x15]  }
0xac: {  	[tilespmem:s1], [sflag:$0x1] =	stream.indirect.gather [hbm4b:s19+s13], $0x1, s2, s13, $0xb8;
	[tilespmem:$0xD30] =	vst v63  }
0xad: {  	s23 =	rddreg [dreg:$0x16]  }
0xae: {  	[tilespmem:s23], [sflag:$0x1] =	stream.indirect.gather [hbm4b:s20+s13], $0x1, s2, s13, $0xb8;
	[tilespmem:$0xD30] =	vst v63  }
0xaf: {  	s1 =	rddreg [dreg:$0x8]  }
0xb0: {  	[tilespmem:s24], [sflag:$0x2] =	stream.indirect.gather [hbm4b:s1+s5], $0x1, s21, s5, $0xb8;
	[tilespmem:$0xD30] =	vst v63  }
0xb1: {  	_ =	swait.ge [sflag:s7], $0x10  }
0xb2: {  	[sflag:s7] =	ssyncset.done $0x0  }
0xb3: {  	[sflag:s7] =	ssyncadd.s32 $0xFFFFFFF0  }
0xb4: {  	[tilespmem:s8], [sflag:$0x2] =	stream.indirect.gather [hbm4b:s12+s5], $0x1, s24, s5, $0xb8;
	[tilespmem:$0xD30] =	vst v63  }
0xb5: {  	s23 =	rddreg [dreg:$0x17]  }
0xb6: {  	[tilespmem:s23], [sflag:$0x2] =	stream.indirect.gather [hbm4b:s14+s5], $0x1, s24, s5, $0xb8;
	[tilespmem:$0xD30] =	vst v63  }
0xb7: {  	s23 =	simm.s32 $0x4C0  }
0xb8: {  	[tilespmem:s23], [sflag:$0x2] =	stream.indirect.gather [hbm4b:s15+s5], $0x1, s24, s5, $0xb8;
	[tilespmem:$0xD30] =	vst v63  }
0xb9: {  	_ = 	snop  }
0xba: {  	[tilespmem:s29], [sflag:$0x2] =	stream.indirect.gather [hbm4b:s16+s5], $0x1, s24, s5, $0xb8;
	[tilespmem:$0xD30] =	vst v63  }
0xbb: {  	_ = 	snop  }
0xbc: {  	[tilespmem:s30], [sflag:$0x2] =	stream.indirect.gather [hbm4b:s17+s5], $0x1, s24, s5, $0xb8;
	[tilespmem:$0xD30] =	vst v63  }
0xbd: {  	_ = 	snop  }
0xbe: {  	[tilespmem:s31], [sflag:$0x2] =	stream.indirect.gather [hbm4b:s18+s5], $0x1, s24, s5, $0xb8;
	[tilespmem:$0xD30] =	vst v63  }
0xbf: {  	_ = 	snop  }
0xc0: {  	[tilespmem:s28], [sflag:$0x2] =	stream.indirect.gather [hbm4b:s19+s5], $0x1, s24, s5, $0xb8;
	[tilespmem:$0xD30] =	vst v63  }
0xc1: {  	_ = 	snop  }
0xc2: {  	[tilespmem:s26], [sflag:$0x2] =	stream.indirect.gather [hbm4b:s20+s5], $0x1, s24, s5, $0xb8;
	[tilespmem:$0xD30] =	vst v63  }
0xc3: {  	s1 =	rddreg [dreg:$0x9]  }
0xc4: {  	[tilespmem:s10], [sflag:$0x3] =	stream.indirect.gather [hbm4b:s1+s5], $0x80, s21, s5, $0xb8;
	[tilespmem:$0xD30] =	vst v63  }
0xc5: {  	s23 =	rddreg [dreg:$0xa]  }
0xc6: {  	[tilespmem:s6], [sflag:$0x4] =	stream.indirect.gather [hbm4b:s23+s5], $0x1, s21, s5, $0xb8;
	[tilespmem:$0xD30] =	vst v63  }
0xc7: {  	_ =	swait.ge [sflag:s22], $0x80  }
0xc8: {  	[sflag:s22] =	ssyncset.done $0x0  }
0xc9: {  	[sflag:s22] =	ssyncadd.s32 $0xFFFFFF80  }
0xca: {  	_ =	swait.ge [sflag:s22], $0x80  }
0xcb: {  	[sflag:s22] =	ssyncset.done $0x0  }
0xcc: {  	[sflag:s22] =	ssyncadd.s32 $0xFFFFFF80  }
0xcd: {  	_ =	swait.ge [sflag:s22], $0x80  }
0xce: {  	[sflag:s22] =	ssyncset.done $0x0  }
0xcf: {  	[sflag:s22] =	ssyncadd.s32 $0xFFFFFF80  }
0xd0: {  	_ =	swait.ge [sflag:s22], $0x80  }
0xd1: {  	[sflag:s22] =	ssyncset.done $0x0  }
0xd2: {  	[sflag:s22] =	ssyncadd.s32 $0xFFFFFF80  }
0xd3: {  	_ =	swait.ge [sflag:s22], $0x80  }
0xd4: {  	[sflag:s22] =	ssyncset.done $0x0  }
0xd5: {  	[sflag:s22] =	ssyncadd.s32 $0xFFFFFF80  }
0xd6: {  	_ =	swait.ge [sflag:s22], $0x80  }
0xd7: {  	[sflag:s22] =	ssyncset.done $0x0  }
0xd8: {  	[sflag:s22] =	ssyncadd.s32 $0xFFFFFF80  }
0xd9: {  	_ =	swait.ge [sflag:s22], $0x80  }
0xda: {  	[sflag:s22] =	ssyncset.done $0x0  }
0xdb: {  	[sflag:s22] =	ssyncadd.s32 $0xFFFFFF80  }
0xdc: {  	_ =	swait.ge [sflag:s22], $0x80  }
0xdd: {  	[sflag:s22] =	ssyncset.done $0x0  }
0xde: {  	s23 =	rddreg [dreg:$0xd];
	[sflag:s22] =	ssyncadd.s32 $0xFFFFFF80  }
0xdf: {  	[hbm4b:s23+s13] =	stream.strided.scatter [tilespmem:s13], [sflag:$0x5], $0x400, s25, s13, $0x38;
	[tilespmem:$0xD30] =	vst v63  }
0xe0: {  	_ =	swait.ge [sflag:s3], $0x400  }
0xe1: {  	[sflag:s3] =	ssyncset.done $0x0  }
0xe2: {  	[sflag:s3] =	ssyncadd.s32 $0xFFFFFC00  }
0xe3: {  	_ =	swait.ge [sflag:s7], $0x10  }
0xe4: {  	[sflag:s7] =	ssyncset.done $0x0  }
0xe5: {  	[sflag:s7] =	ssyncadd.s32 $0xFFFFFFF0  }
0xe6: {  	_ =	swait.ge [sflag:s7], $0x10  }
0xe7: {  	[sflag:s7] =	ssyncset.done $0x0  }
0xe8: {  	[sflag:s7] =	ssyncadd.s32 $0xFFFFFFF0  }
0xe9: {  	_ =	swait.ge [sflag:s7], $0x10  }
0xea: {  	[sflag:s7] =	ssyncset.done $0x0  }
0xeb: {  	[sflag:s7] =	ssyncadd.s32 $0xFFFFFFF0  }
0xec: {  	_ =	swait.ge [sflag:s7], $0x10  }
0xed: {  	[sflag:s7] =	ssyncset.done $0x0  }
0xee: {  	[sflag:s7] =	ssyncadd.s32 $0xFFFFFFF0  }
0xef: {  	_ =	swait.ge [sflag:s7], $0x10  }
0xf0: {  	[sflag:s7] =	ssyncset.done $0x0  }
0xf1: {  	[sflag:s7] =	ssyncadd.s32 $0xFFFFFFF0  }
0xf2: {  	_ =	swait.ge [sflag:s7], $0x10  }
0xf3: {  	[sflag:s7] =	ssyncset.done $0x0  }
0xf4: {  	[sflag:s7] =	ssyncadd.s32 $0xFFFFFFF0  }
0xf5: {  	_ =	swait.ge [sflag:s7], $0x10  }
0xf6: {  	[sflag:s7] =	ssyncset.done $0x0  }
0xf7: {  	[sflag:s7] =	ssyncadd.s32 $0xFFFFFFF0  }
0xf8: {  	_ =	swait.ge [sflag:s7], $0x10  }
0xf9: {  	[sflag:s7] =	ssyncset.done $0x0  }
0xfa: {  	s23 =	rddreg [dreg:$0xe];
	[sflag:s7] =	ssyncadd.s32 $0xFFFFFFF0  }
0xfb: {  	[hbm4b:s23+s5] =	stream.strided.scatter [tilespmem:s8], [sflag:$0x5], $0x80, s4, s5, $0x38;
	[tilespmem:$0xD30] =	vst v63  }
0xfc: {  	_ =	swait.ge [sflag:s3], $0x80  }
0xfd: {  	[sflag:s3] =	ssyncset.done $0x0  }
0xfe: {  	[sflag:s3] =	ssyncadd.s32 $0xFFFFFF80  }
0xff: {  	_ =	swait.ge [sflag:s11], $0x800  }
0x100: {  	[sflag:s11] =	ssyncset.done $0x0  }
0x101: {  	s23 =	rddreg [dreg:$0xf];
	[sflag:s11] =	ssyncadd.s32 $0xFFFFF800  }
0x102: {  	[hbm4b:s23+s2] =	stream.linear.scatter [tilespmem:s10], [sflag:$0x5], $0x800, $0x38;
	[tilespmem:$0xD30] =	vst v63  }
0x103: {  	_ =	swait.ge [sflag:s3], $0x800  }
0x104: {  	[sflag:s3] =	ssyncset.done $0x0  }
0x105: {  	[sflag:s3] =	ssyncadd.s32 $0xFFFFF800  }
0x106: {  	p1 =	sne.s32 s0, $0x1;
	_ =	swait.ge [sflag:s9], $0x10  }
.Ltmp2:
0x107: {  	[sflag:s9] =	ssyncset.done $0x0;
	(pc) =	sbr.rel @p1 .LBB2_4-.Ltmp2, $4  }
0x108: {  	s23 =	rddreg [dreg:$0x10];
	[sflag:s9] =	ssyncadd.s32 $0xFFFFFFF0  }
0x109: {  	[hbm4b:s23+s2] =	stream.linear.scatter [tilespmem:s6], [sflag:$0x5], $0x10, $0x38;
	[tilespmem:$0xD30] =	vst v63  }
0x10a: {  	_ =	swait.ge [sflag:s3], $0x10  }
0x10b: {  	s0 =	sadd.s32 $0xFFFFFFFF, s0;
	s1 =	rddreg [dreg:$0xb];
	[sflag:s3] =	ssyncset.done $0x0  }
0x10c: {  	s25 =	simm.s32 $0x500  }
0x10d: {  	s31 =	simm.s32 $0x4F0;
	s30 =	simm.s32 $0x4E0;
	s29 =	simm.s32 $0x4D0  }
0x10e: {  	s28 =	simm.s32 $0x4C0;
	s26 =	simm.s32 $0x510;
	s23 =	rddreg [dreg:$0x7]  }
.LBB2_6:
0x10f: {  	[sflag:s3] =	ssyncadd.s32 @p0 $0xFFFFFFF0  }
0x110: {  	[tilespmem:s2], [sflag:$0x5] =	stream.linear.gather [hbm4b:s1+s2], $0x80, $0x38;
	[tilespmem:$0xD30] =	vst v63  }
0x111: {  	_ =	swait.ge [sflag:s3], $0x80  }
0x112: {  	[sflag:s3] =	ssyncset.done $0x0  }
0x113: {  	s0 =	rddreg [dreg:$0xc];
	[sflag:s3] =	ssyncadd.s32 $0xFFFFFF80  }
0x114: {  	[tilespmem:s21], [sflag:$0x5] =	stream.linear.gather [hbm4b:s0+s2], $0x10, $0x38;
	[tilespmem:$0xD30] =	vst v63  }
0x115: {  	_ =	swait.ge [sflag:s3], $0x10  }
0x116: {  	[sflag:s3] =	ssyncset.done $0x0  }
0x117: {  	[sflag:s3] =	ssyncadd.s32 $0xFFFFFFF0  }
0x118: {  	[tilespmem:s13], [sflag:$0x1] =	stream.indirect.gather [hbm4b:s12+s13], $0x1, s2, s13, $0xb8;
	[tilespmem:$0xD30] =	vst v63  }
0x119: {  	s0 =	rddreg [dreg:$0x11]  }
0x11a: {  	[tilespmem:s0], [sflag:$0x1] =	stream.indirect.gather [hbm4b:s14+s13], $0x1, s2, s13, $0xb8;
	[tilespmem:$0xD30] =	vst v63  }
0x11b: {  	s1 =	rddreg [dreg:$0x12]  }
0x11c: {  	[tilespmem:s1], [sflag:$0x1] =	stream.indirect.gather [hbm4b:s15+s13], $0x1, s2, s13, $0xb8;
	[tilespmem:$0xD30] =	vst v63  }
0x11d: {  	_ = 	snop  }
0x11e: {  	[tilespmem:s4], [sflag:$0x1] =	stream.indirect.gather [hbm4b:s16+s13], $0x1, s2, s13, $0xb8;
	[tilespmem:$0xD30] =	vst v63  }
0x11f: {  	s0 =	rddreg [dreg:$0x13]  }
0x120: {  	[tilespmem:s0], [sflag:$0x1] =	stream.indirect.gather [hbm4b:s17+s13], $0x1, s2, s13, $0xb8;
	[tilespmem:$0xD30] =	vst v63  }
0x121: {  	s1 =	rddreg [dreg:$0x14]  }
0x122: {  	[tilespmem:s1], [sflag:$0x1] =	stream.indirect.gather [hbm4b:s18+s13], $0x1, s2, s13, $0xb8;
	[tilespmem:$0xD30] =	vst v63  }
0x123: {  	s0 =	rddreg [dreg:$0x15]  }
0x124: {  	[tilespmem:s0], [sflag:$0x1] =	stream.indirect.gather [hbm4b:s19+s13], $0x1, s2, s13, $0xb8;
	[tilespmem:$0xD30] =	vst v63  }
0x125: {  	s1 =	rddreg [dreg:$0x16]  }
0x126: {  	[tilespmem:s1], [sflag:$0x1] =	stream.indirect.gather [hbm4b:s20+s13], $0x1, s2, s13, $0xb8;
	[tilespmem:$0xD30] =	vst v63  }
0x127: {  	s0 =	rddreg [dreg:$0x8]  }
0x128: {  	[tilespmem:s24], [sflag:$0x2] =	stream.indirect.gather [hbm4b:s0+s5], $0x1, s21, s5, $0xb8;
	[tilespmem:$0xD30] =	vst v63  }
0x129: {  	_ =	swait.ge [sflag:s7], $0x10  }
0x12a: {  	[sflag:s7] =	ssyncset.done $0x0  }
0x12b: {  	[sflag:s7] =	ssyncadd.s32 $0xFFFFFFF0  }
0x12c: {  	[tilespmem:s8], [sflag:$0x2] =	stream.indirect.gather [hbm4b:s12+s5], $0x1, s24, s5, $0xb8;
	[tilespmem:$0xD30] =	vst v63  }
0x12d: {  	s1 =	rddreg [dreg:$0x17]  }
0x12e: {  	[tilespmem:s1], [sflag:$0x2] =	stream.indirect.gather [hbm4b:s14+s5], $0x1, s24, s5, $0xb8;
	[tilespmem:$0xD30] =	vst v63  }
0x12f: {  	_ = 	snop  }
0x130: {  	[tilespmem:s28], [sflag:$0x2] =	stream.indirect.gather [hbm4b:s15+s5], $0x1, s24, s5, $0xb8;
	[tilespmem:$0xD30] =	vst v63  }
0x131: {  	_ = 	snop  }
0x132: {  	[tilespmem:s29], [sflag:$0x2] =	stream.indirect.gather [hbm4b:s16+s5], $0x1, s24, s5, $0xb8;
	[tilespmem:$0xD30] =	vst v63  }
0x133: {  	_ = 	snop  }
0x134: {  	[tilespmem:s30], [sflag:$0x2] =	stream.indirect.gather [hbm4b:s17+s5], $0x1, s24, s5, $0xb8;
	[tilespmem:$0xD30] =	vst v63  }
0x135: {  	_ = 	snop  }
0x136: {  	[tilespmem:s31], [sflag:$0x2] =	stream.indirect.gather [hbm4b:s18+s5], $0x1, s24, s5, $0xb8;
	[tilespmem:$0xD30] =	vst v63  }
0x137: {  	_ = 	snop  }
0x138: {  	[tilespmem:s25], [sflag:$0x2] =	stream.indirect.gather [hbm4b:s19+s5], $0x1, s24, s5, $0xb8;
	[tilespmem:$0xD30] =	vst v63  }
0x139: {  	_ = 	snop  }
0x13a: {  	[tilespmem:s26], [sflag:$0x2] =	stream.indirect.gather [hbm4b:s20+s5], $0x1, s24, s5, $0xb8;
	[tilespmem:$0xD30] =	vst v63  }
0x13b: {  	s19 =	rddreg [dreg:$0x9]  }
0x13c: {  	[tilespmem:s10], [sflag:$0x3] =	stream.indirect.gather [hbm4b:s19+s5], $0x80, s21, s5, $0xb8;
	[tilespmem:$0xD30] =	vst v63  }
0x13d: {  	s24 =	rddreg [dreg:$0xa]  }
0x13e: {  	[tilespmem:s6], [sflag:$0x4] =	stream.indirect.gather [hbm4b:s24+s5], $0x1, s21, s5, $0xb8;
	[tilespmem:$0xD30] =	vst v63  }
0x13f: {  	_ =	swait.ge [sflag:s22], $0x80  }
0x140: {  	[sflag:s22] =	ssyncset.done $0x0  }
0x141: {  	[sflag:s22] =	ssyncadd.s32 $0xFFFFFF80  }
0x142: {  	_ =	swait.ge [sflag:s22], $0x80  }
0x143: {  	[sflag:s22] =	ssyncset.done $0x0  }
0x144: {  	[sflag:s22] =	ssyncadd.s32 $0xFFFFFF80  }
0x145: {  	_ =	swait.ge [sflag:s22], $0x80  }
0x146: {  	[sflag:s22] =	ssyncset.done $0x0  }
0x147: {  	[sflag:s22] =	ssyncadd.s32 $0xFFFFFF80  }
0x148: {  	_ =	swait.ge [sflag:s22], $0x80  }
0x149: {  	[sflag:s22] =	ssyncset.done $0x0  }
0x14a: {  	[sflag:s22] =	ssyncadd.s32 $0xFFFFFF80  }
0x14b: {  	_ =	swait.ge [sflag:s22], $0x80  }
0x14c: {  	[sflag:s22] =	ssyncset.done $0x0  }
0x14d: {  	[sflag:s22] =	ssyncadd.s32 $0xFFFFFF80  }
0x14e: {  	_ =	swait.ge [sflag:s22], $0x80  }
0x14f: {  	[sflag:s22] =	ssyncset.done $0x0  }
0x150: {  	[sflag:s22] =	ssyncadd.s32 $0xFFFFFF80  }
0x151: {  	_ =	swait.ge [sflag:s22], $0x80  }
0x152: {  	[sflag:s22] =	ssyncset.done $0x0  }
0x153: {  	[sflag:s22] =	ssyncadd.s32 $0xFFFFFF80  }
0x154: {  	_ =	swait.ge [sflag:s22], $0x80  }
0x155: {  	[sflag:s22] =	ssyncset.done $0x0  }
0x156: {  	s26 =	simm.s32 $0x1000;
	s25 =	rddreg [dreg:$0xd];
	[sflag:s22] =	ssyncadd.s32 $0xFFFFFF80  }
0x157: {  	[hbm4b:s25+s13] =	stream.strided.scatter [tilespmem:s13], [sflag:$0x5], $0x400, s26, s13, $0x38;
	[tilespmem:$0xD30] =	vst v63  }
0x158: {  	_ =	swait.ge [sflag:s3], $0x400  }
0x159: {  	[sflag:s3] =	ssyncset.done $0x0  }
0x15a: {  	[sflag:s3] =	ssyncadd.s32 $0xFFFFFC00  }
0x15b: {  	_ =	swait.ge [sflag:s7], $0x10  }
0x15c: {  	[sflag:s7] =	ssyncset.done $0x0  }
0x15d: {  	[sflag:s7] =	ssyncadd.s32 $0xFFFFFFF0  }
0x15e: {  	_ =	swait.ge [sflag:s7], $0x10  }
0x15f: {  	[sflag:s7] =	ssyncset.done $0x0  }
0x160: {  	[sflag:s7] =	ssyncadd.s32 $0xFFFFFFF0  }
0x161: {  	_ =	swait.ge [sflag:s7], $0x10  }
0x162: {  	[sflag:s7] =	ssyncset.done $0x0  }
0x163: {  	[sflag:s7] =	ssyncadd.s32 $0xFFFFFFF0  }
0x164: {  	_ =	swait.ge [sflag:s7], $0x10  }
0x165: {  	[sflag:s7] =	ssyncset.done $0x0  }
0x166: {  	[sflag:s7] =	ssyncadd.s32 $0xFFFFFFF0  }
0x167: {  	_ =	swait.ge [sflag:s7], $0x10  }
0x168: {  	[sflag:s7] =	ssyncset.done $0x0  }
0x169: {  	[sflag:s7] =	ssyncadd.s32 $0xFFFFFFF0  }
0x16a: {  	_ =	swait.ge [sflag:s7], $0x10  }
0x16b: {  	[sflag:s7] =	ssyncset.done $0x0  }
0x16c: {  	[sflag:s7] =	ssyncadd.s32 $0xFFFFFFF0  }
0x16d: {  	_ =	swait.ge [sflag:s7], $0x10  }
0x16e: {  	[sflag:s7] =	ssyncset.done $0x0  }
0x16f: {  	[sflag:s7] =	ssyncadd.s32 $0xFFFFFFF0  }
0x170: {  	_ =	swait.ge [sflag:s7], $0x10  }
0x171: {  	[sflag:s7] =	ssyncset.done $0x0  }
0x172: {  	s28 =	rddreg [dreg:$0xe];
	[sflag:s7] =	ssyncadd.s32 $0xFFFFFFF0  }
0x173: {  	[hbm4b:s28+s5] =	stream.strided.scatter [tilespmem:s8], [sflag:$0x5], $0x80, s4, s5, $0x38;
	[tilespmem:$0xD30] =	vst v63  }
0x174: {  	_ =	swait.ge [sflag:s3], $0x80  }
0x175: {  	[sflag:s3] =	ssyncset.done $0x0  }
0x176: {  	[sflag:s3] =	ssyncadd.s32 $0xFFFFFF80  }
0x177: {  	_ =	swait.ge [sflag:s11], $0x800  }
0x178: {  	[sflag:s11] =	ssyncset.done $0x0  }
0x179: {  	s29 =	rddreg [dreg:$0xf];
	[sflag:s11] =	ssyncadd.s32 $0xFFFFF800  }
0x17a: {  	[hbm4b:s29+s2] =	stream.linear.scatter [tilespmem:s10], [sflag:$0x5], $0x800, $0x38;
	[tilespmem:$0xD30] =	vst v63  }
0x17b: {  	_ =	swait.ge [sflag:s3], $0x800  }
0x17c: {  	[sflag:s3] =	ssyncset.done $0x0  }
0x17d: {  	[sflag:s3] =	ssyncadd.s32 $0xFFFFF800  }
0x17e: {  	_ =	swait.ge [sflag:s9], $0x10  }
0x17f: {  	[sflag:s9] =	ssyncset.done $0x0  }
0x180: {  	s30 =	rddreg [dreg:$0x10];
	[sflag:s9] =	ssyncadd.s32 $0xFFFFFFF0  }
0x181: {  	[hbm4b:s30+s2] =	stream.linear.scatter [tilespmem:s6], [sflag:$0x5], $0x10, $0x38;
	[tilespmem:$0xD30] =	vst v63  }
0x182: {  	_ =	swait.ge [sflag:s3], $0x10  }
0x183: {  	[sflag:s3] =	ssyncset.done $0x0  }
0x184: {  	[sflag:s3] =	ssyncadd.s32 $0xFFFFFFF0  }
0x185: {  	_ =	sfence.sel $0x180000  }
0x186: {  	s31 =	stileid.u32;
	[bflag:$0x0] =	sbarrier.arrive $0xFFFF  }
0x187: {  	p0 =	sne.s32 s31, $0x0;
	_ =	strace $0x90000047  }
0x188: {  	s0 =	sadd.s32 @!p0 $0x100000, s23;
	[bflag:$0x2] =	sbarrier.arrive $0xFFFF  }
0x189: {  	[sflag:s0] =	ssyncadd.tile.s32 @!p0 $0x1;
	_ =	shalt  }
.LBB2_1:
.Ltmp3:
0x18a: {  	(pc) =	sbr.rel .LBB2_6-.Ltmp3, $3  }
0x18b: {  	_ =	sdelay $0x1  }
0x18c: {  	s25 =	simm.s32 $0x500;
	s31 =	simm.s32 $0x4F0;
	s30 =	simm.s32 $0x4E0  }
0x18d: {  	s29 =	simm.s32 $0x4D0;
	s28 =	simm.s32 $0x4C0;
	s26 =	simm.s32 $0x510  }
.LBB2_3:
.Ltmp4:
0x18e: {  	(pc) =	sbr.rel .LBB2_6-.Ltmp4, $4  }
0x18f: {  	_ = 	snop  }
0x190: {  	s25 =	simm.s32 $0x500  }
0x191: {  	s31 =	simm.s32 $0x4F0;
	s30 =	simm.s32 $0x4E0;
	s29 =	simm.s32 $0x4D0  }
0x192: {  	s28 =	simm.s32 $0x4C0;
	s26 =	simm.s32 $0x510;
	s23 =	rddreg [dreg:$0x7]  }
.Lfunc_end2:
_tile_overlayer_lowered:
.L_overlay_start_2:
0x193: {  	(tag) =	ssettag $0x2  }
0x194: {  	s0 =	rddreg [dreg:$0x0];
	s2 =	stileid.u32  }
0x195: {  	s1 =	rddreg [dreg:$0x1];
	p0 =	sne.s32 s2, $0x0  }
0x196: {  	s3 =	rddreg [dreg:$0x2];
	[bflag:$0x3] =	sbarrier.arrive $0xFFFF;
	s2 =	simm.s32 @!p0 $0x1C05  }
0x197: {  	[timem:s3], [sflag:s2] =	dma.local @!p0 [hbm:s0], s1  }
0x198: {  	s0 =	simm.s32 @!p0 $0x5  }
0x199: {  	_ =	swait.ge @!p0 [sflag:s0], s1  }
0x19a: {  	s1 =	ssub.s32 @!p0 $0x0, s1;
	[sflag:s0] =	ssyncset.done @!p0 $0x0  }
0x19b: {  	[sflag:s0] =	ssyncadd.s32 @!p0 s1  }
0x19c: {  	[bflag:$0x3] =	sbarrier.arrive $0xFFFF  }
0x19d: {  	_ =	shalt  }

</sc_bundles>
